<compile_context>
chip_gen: v7x
topology: tpu7x:2x2x1
jax: 0.10.2.dev20260603
libtpu: 0.0.44.dev20260713+nightly
codegen_flags: <defaults>
</compile_context>

<pallas_src>
import functools

import jax
import jax.numpy as jnp
from jax import lax
from jax.experimental import pallas as pl
from jax.experimental.pallas import tpu as pltpu
from jax.experimental.pallas import tpu_sc as plsc

_NQ = 4
_K = 1024
_D = 64
_N = 18432
_NW = 32
_BPW = _N // _NW


def _tc_level_kernel(first, r_ref, q_ref, cb_ref, ex_ref, cn_ref,
                     idx_ref, cnt_ref, rout_ref, loss_ref):
    j = pl.program_id(0)

    @pl.when(j == 0)
    def _init():
        cnt_ref[...] = jnp.zeros_like(cnt_ref)
        loss_ref[...] = jnp.zeros_like(loss_ref)

    r = r_ref[...]
    b = r.shape[0]
    if not first:
        q = q_ref[:, :_D]
        q_st = r + (q - r)
        diff = r - q
        e = diff * diff
        loss_ref[...] += jnp.sum(jnp.mean(e + 0.25 * e, axis=1)).reshape(1, 1)
        r = r - q_st
    rout_ref[...] = r

    col_iota = jax.lax.broadcasted_iota(jnp.int32, (b, _K), 1)
    ones_row = jnp.ones((1, b), dtype=jnp.bfloat16)
    cn = cn_ref[...]
    s2 = jax.lax.dot_general(-2.0 * r, cb_ref[...], (((1,), (1,)), ((), ())),
                             preferred_element_type=jnp.float32)
    rn = jnp.sum(r * r, axis=1, keepdims=True)
    d2 = (rn + s2) + cn
    m = jnp.min(d2, axis=1, keepdims=True)
    oh0 = d2 == m
    ohb = oh0.astype(jnp.bfloat16)

    def _cols(maskb):
        p = jax.lax.dot_general(maskb, ex_ref[...], (((1,), (0,)), ((), ())),
                                preferred_element_type=jnp.float32)
        idxv = (p[:, 0:1] + p[:, 1:2]).astype(jnp.int32)
        cntv = jax.lax.dot_general(ones_row, maskb, (((1,), (0,)), ((), ())),
                                   preferred_element_type=jnp.float32)
        return idxv, p[:, 2:3], cntv

    idx, mult, cnt = _cols(ohb)

    def _tie_fix(_):
        i1 = jnp.min(jnp.where(oh0, col_iota, _K), axis=1, keepdims=True)
        _, _, c1 = _cols((col_iota == i1).astype(jnp.bfloat16))
        return i1, c1

    idx, cnt = jax.lax.cond(jnp.max(mult) > 1.5, _tie_fix,
                            lambda _: (idx, cnt), None)
    idx_ref[...] = idx
    cnt_ref[...] += cnt


def _tc_final_kernel(x_ref, r_ref, q_ref, quant_ref, loss_ref):
    j = pl.program_id(0)

    @pl.when(j == 0)
    def _init():
        loss_ref[...] = jnp.zeros_like(loss_ref)

    r = r_ref[...]
    q = q_ref[:, :_D]
    q_st = r + (q - r)
    diff = r - q
    e = diff * diff
    loss_ref[...] += jnp.sum(jnp.mean(e + 0.25 * e, axis=1)).reshape(1, 1)
    quant_ref[...] = x_ref[...] - (r - q_st)


_sc_mesh = plsc.VectorSubcoreMesh(core_axis_name="c", subcore_axis_name="s")


@functools.partial(
    pl.kernel,
    out_type=jax.ShapeDtypeStruct((_N, 2 * _D), jnp.float32),
    mesh=_sc_mesh,
    scratch_types=[
        pltpu.VMEM((_BPW,), jnp.int32),
        pltpu.VMEM((_BPW, 2 * _D), jnp.float32),
        pltpu.SemaphoreType.DMA,
    ],
)
def _sc_gather(table_hbm, idx_hbm, out_hbm, idx_v, rows_v, sem):
    wid = lax.axis_index("s") * 2 + lax.axis_index("c")
    base = wid * _BPW
    pltpu.sync_copy(idx_hbm.at[pl.ds(base, _BPW)], idx_v)
    pltpu.async_copy(table_hbm.at[idx_v], rows_v, sem).wait()
    pltpu.sync_copy(rows_v, out_hbm.at[pl.ds(base, _BPW)])


def _tc_level(r, qin, cb_i, ex, cn_i, first, blk):
    grid = (_N // blk,)
    return pl.pallas_call(
        functools.partial(_tc_level_kernel, first),
        grid=grid,
        in_specs=[
            pl.BlockSpec((blk, _D), lambda j: (j, 0)),
            pl.BlockSpec((blk, 2 * _D), lambda j: (j, 0)),
            pl.BlockSpec((_K, _D), lambda j: (0, 0)),
            pl.BlockSpec((_K, 3), lambda j: (0, 0)),
            pl.BlockSpec((1, _K), lambda j: (0, 0)),
        ],
        out_specs=[
            pl.BlockSpec((blk, 1), lambda j: (j, 0)),
            pl.BlockSpec((1, _K), lambda j: (0, 0)),
            pl.BlockSpec((blk, _D), lambda j: (j, 0)),
            pl.BlockSpec((1, 1), lambda j: (0, 0)),
        ],
        out_shape=[
            jax.ShapeDtypeStruct((_N, 1), jnp.int32),
            jax.ShapeDtypeStruct((1, _K), jnp.float32),
            jax.ShapeDtypeStruct((_N, _D), jnp.float32),
            jax.ShapeDtypeStruct((1, 1), jnp.float32),
        ],
        compiler_params=pltpu.CompilerParams(
            dimension_semantics=("arbitrary",)),
    )(r, qin, cb_i, ex, cn_i)


def kernel(inputs, codebooks):
    shape = inputs.shape
    d = shape[-1]
    flat = inputs.reshape(-1, d)
    n = flat.shape[0]
    nq, k, _ = codebooks.shape
    cnorm = jnp.stack(
        [jnp.sum(codebooks[i] * codebooks[i], axis=1) for i in range(nq)],
        axis=0)
    iota = jnp.arange(k, dtype=jnp.int32)
    ex = jnp.stack([(iota & ~3).astype(jnp.float32),
                    (iota & 3).astype(jnp.float32),
                    jnp.ones((k,), jnp.float32)], axis=1).astype(jnp.bfloat16)

    blk = 1024
    cb_pad = jnp.concatenate(
        [codebooks, jnp.zeros((nq, k, d), codebooks.dtype)], axis=2)
    r = flat
    q_prev = jnp.zeros((n, 2 * d), jnp.float32)
    idx_list, cnt_list, loss_parts = [], [], []
    for i in range(nq):
        idx_i, cnt_i, r, loss_i = _tc_level(
            r, q_prev, codebooks[i], ex, cnorm[i:i + 1, :], i == 0, blk)
        q_prev = _sc_gather(cb_pad[i], idx_i.reshape(n))
        idx_list.append(idx_i)
        cnt_list.append(cnt_i)
        loss_parts.append(loss_i)

    quant, loss_f = pl.pallas_call(
        _tc_final_kernel,
        grid=(n // blk,),
        in_specs=[
            pl.BlockSpec((blk, d), lambda j: (j, 0)),
            pl.BlockSpec((blk, d), lambda j: (j, 0)),
            pl.BlockSpec((blk, 2 * d), lambda j: (j, 0)),
        ],
        out_specs=[
            pl.BlockSpec((blk, d), lambda j: (j, 0)),
            pl.BlockSpec((1, 1), lambda j: (0, 0)),
        ],
        out_shape=[
            jax.ShapeDtypeStruct((n, d), jnp.float32),
            jax.ShapeDtypeStruct((1, 1), jnp.float32),
        ],
        compiler_params=pltpu.CompilerParams(
            dimension_semantics=("arbitrary",)),
    )(flat, r, q_prev)

    qloss = (loss_parts[1][0, 0] + loss_parts[2][0, 0]
             + loss_parts[3][0, 0] + loss_f[0, 0]) / jnp.float32(n)
    quantized = quant.reshape(shape)
    qloss_out = jnp.full(shape[:-1] + (1,), qloss, dtype=jnp.float32)
    nn_idx = jnp.concatenate(idx_list, axis=1).T.reshape((nq,) + shape[:-1])
    codebooks_out = codebooks.reshape(-1, d)
    counts = jnp.concatenate(cnt_list, axis=0).astype(jnp.int32)
    return quantized, qloss_out, nn_idx, codebooks_out, counts

# --- scband reference (transcript-rebuilt; emitter-appended) ---
"""Pipeline reference for scband-residual-quantizer-36764920054253 (READ-ONLY COPY).

The authoritative reference and input builder live on the scoring server;
editing this copy changes nothing except your own understanding.
"""

import jax, jax.numpy as jnp
import numpy as np

NUM_Q = 4
NUM_CENTROIDS = 1024
CODE_DIM = 64
BATCH = 32
TOKENS = 576  # (384/16)^2 vision patches


def _vq_level(residual, codebook):
    # residual: [N, D], codebook: [K, D]
    d2 = (jnp.sum(residual * residual, axis=1, keepdims=True)
          - 2.0 * residual @ codebook.T
          + jnp.sum(codebook * codebook, axis=1)[None, :])
    nn_idx = jnp.argmin(d2, axis=1)
    q = jnp.take(codebook, nn_idx, axis=0)
    # straight-through estimator
    q_st = residual + jax.lax.stop_gradient(q - residual)
    loss = jnp.mean((jax.lax.stop_gradient(residual) - q) ** 2
                    + 0.25 * (residual - jax.lax.stop_gradient(q)) ** 2, axis=-1)
    counts = jnp.bincount(nn_idx, length=codebook.shape[0])
    return q_st, nn_idx, loss, counts


def setup_inputs(seed: int = 0) -> dict:
    key = jax.random.key(seed)
    k1, k2 = jax.random.split(key)
    inputs = jax.random.normal(k1, (BATCH, TOKENS, CODE_DIM), dtype=jnp.float32)
    codebooks = jax.random.normal(k2, (NUM_Q, NUM_CENTROIDS, CODE_DIM), dtype=jnp.float32)
    return {"inputs": inputs, "codebooks": codebooks}


def reference(inputs, codebooks):
    shape = inputs.shape
    d = shape[-1]
    flat = inputs.reshape(-1, d)
    residual = flat
    quantized = jnp.zeros_like(flat)
    qloss = jnp.float32(0.0)
    nn_list = []
    counts_list = []
    for i in range(codebooks.shape[0]):
        q_st, nn_idx, loss, counts = _vq_level(residual, codebooks[i])
        quantized = quantized + q_st
        residual = residual - q_st
        qloss = qloss + jnp.mean(loss)
        nn_list.append(nn_idx)
        counts_list.append(counts)
    nn_idx = jnp.stack(nn_list, axis=0).reshape((codebooks.shape[0],) + shape[:-1])
    codebooks_out = jax.lax.stop_gradient(codebooks.reshape(-1, d))
    quantized = quantized.reshape(shape)
    qloss_out = jnp.full(shape[:-1] + (1,), qloss, dtype=jnp.float32)
    counts = jnp.stack(counts_list, axis=0)
    return quantized, qloss_out, nn_idx, codebooks_out, counts

if __name__ == "__main__":
    import jax
    _d = setup_inputs()
    print(jax.jit(kernel)(*tuple(_d.values())))

</pallas_src>

<mosaic_0001>
#map = affine_map<(d0, d1) -> (0, 0)>
#map1 = affine_map<(d0, d1) -> (0)>
module attributes {stable_mosaic.version = 14 : i64} {
  func.func @_sc_gather(%arg0: i32, %arg1: i32, %arg2: memref<1024x128xf32, #tpu.memory_space<hbm>>, %arg3: memref<18432xi32, #tpu.memory_space<hbm>>, %arg4: memref<18432x128xf32, #tpu.memory_space<hbm>>, %arg5: memref<576xi32, #tpu.memory_space<vmem>>, %arg6: memref<576x128xf32, #tpu.memory_space<vmem>>, %arg7: memref<!tpu.dma_semaphore, #tpu.memory_space<semaphore_mem>>) attributes {dimension_semantics = [#tpu.dimension_semantics<core_parallel>, #tpu.dimension_semantics<subcore_parallel>], iteration_bounds = array<i64: 2, 16>, scalar_prefetch = 0 : i64, scratch_operands = 3 : i64, tpu.core_type = #tpu.core_type<sc_vector_subcore>, window_params = [{transform_indices = #map}, {transform_indices = #map1}, {transform_indices = #map}]} {
    %mul3A = arith.constant 2 : i32
    %mul3A_0 = arith.muli %arg1, %mul3A : i32
    %add3A = arith.addi %mul3A_0, %arg0 : i32
    %mul3A_1 = arith.constant 576 : i32
    %mul3A_2 = arith.muli %add3A, %mul3A_1 : i32
    "tpu.region"() ({
      %run_scoped3A = tpu.sem_alloc : memref<!tpu.dma_semaphore, #tpu.memory_space<semaphore_mem>>
      %dma_start3A_7 = tpu.memref_slice %arg3[%mul3A_2] : memref<18432xi32, #tpu.memory_space<hbm>> -> memref<576xi32, #tpu.memory_space<hbm>>
      %dma_start3A_8 = tpu.memref_slice %arg3[%mul3A_2] : memref<18432xi32, #tpu.memory_space<hbm>> -> memref<576xi32, #tpu.memory_space<hbm>>
      tpu.enqueue_dma source(%dma_start3A_8 : memref<576xi32, #tpu.memory_space<hbm>>) target(%arg5 : memref<576xi32, #tpu.memory_space<vmem>>) target_semaphore(%run_scoped3A : memref<!tpu.dma_semaphore, #tpu.memory_space<semaphore_mem>>)
      %dma_wait3A_9 = tpu.memref_slice %arg3[%mul3A_2] : memref<18432xi32, #tpu.memory_space<hbm>> -> memref<576xi32, #tpu.memory_space<hbm>>
      %dma_wait3A_10 = tpu.memref_slice %arg3[%mul3A_2] : memref<18432xi32, #tpu.memory_space<hbm>> -> memref<576xi32, #tpu.memory_space<hbm>>
      tpu.wait_dma2 semaphore(%run_scoped3A : memref<!tpu.dma_semaphore, #tpu.memory_space<semaphore_mem>>) src(%dma_wait3A_10 : memref<576xi32, #tpu.memory_space<hbm>>) dst(%arg5 : memref<576xi32, #tpu.memory_space<vmem>>)
      tpu.yield
    }) : () -> ()
    %dma_start3A = arith.constant 0 : i32
    %dma_start3A_3 = arith.constant 0 : i32
    %dma_start3A_4 = tpu.memref_slice %arg2[%dma_start3A, %dma_start3A_3] : memref<1024x128xf32, #tpu.memory_space<hbm>> -> memref<1024x128xf32, #tpu.memory_space<hbm>>
    tpu.enqueue_indirect_dma source(%dma_start3A_4 : memref<1024x128xf32, #tpu.memory_space<hbm>>) target(%arg6 : memref<576x128xf32, #tpu.memory_space<vmem>>) offsets(%arg5 : memref<576xi32, #tpu.memory_space<vmem>>) semaphore(%arg7 : memref<!tpu.dma_semaphore, #tpu.memory_space<semaphore_mem>>)
    %dma_wait3A = arith.constant 0 : i32
    %dma_wait3A_5 = arith.constant 0 : i32
    %dma_wait3A_6 = tpu.memref_slice %arg2[%dma_wait3A, %dma_wait3A_5] : memref<1024x128xf32, #tpu.memory_space<hbm>> -> memref<1024x128xf32, #tpu.memory_space<hbm>>
    tpu.wait_indirect_dma semaphore(%arg7 : memref<!tpu.dma_semaphore, #tpu.memory_space<semaphore_mem>>) src(%dma_wait3A_6 : memref<1024x128xf32, #tpu.memory_space<hbm>>) dst(%arg6 : memref<576x128xf32, #tpu.memory_space<vmem>>)
    "tpu.region"() ({
      %run_scoped3A = tpu.sem_alloc : memref<!tpu.dma_semaphore, #tpu.memory_space<semaphore_mem>>
      %dma_start3A_7 = arith.constant 0 : i32
      %dma_start3A_8 = tpu.memref_slice %arg4[%mul3A_2, %dma_start3A_7] : memref<18432x128xf32, #tpu.memory_space<hbm>> -> memref<576x128xf32, #tpu.memory_space<hbm>>
      %dma_start3A_9 = arith.constant 0 : i32
      %dma_start3A_10 = tpu.memref_slice %arg4[%mul3A_2, %dma_start3A_9] : memref<18432x128xf32, #tpu.memory_space<hbm>> -> memref<576x128xf32, #tpu.memory_space<hbm>>
      tpu.enqueue_dma source(%arg6 : memref<576x128xf32, #tpu.memory_space<vmem>>) target(%dma_start3A_10 : memref<576x128xf32, #tpu.memory_space<hbm>>) target_semaphore(%run_scoped3A : memref<!tpu.dma_semaphore, #tpu.memory_space<semaphore_mem>>)
      %dma_wait3A_11 = arith.constant 0 : i32
      %dma_wait3A_12 = tpu.memref_slice %arg4[%mul3A_2, %dma_wait3A_11] : memref<18432x128xf32, #tpu.memory_space<hbm>> -> memref<576x128xf32, #tpu.memory_space<hbm>>
      %dma_wait3A_13 = arith.constant 0 : i32
      %dma_wait3A_14 = tpu.memref_slice %arg4[%mul3A_2, %dma_wait3A_13] : memref<18432x128xf32, #tpu.memory_space<hbm>> -> memref<576x128xf32, #tpu.memory_space<hbm>>
      tpu.wait_dma2 semaphore(%run_scoped3A : memref<!tpu.dma_semaphore, #tpu.memory_space<semaphore_mem>>) src(%arg6 : memref<576x128xf32, #tpu.memory_space<vmem>>) dst(%dma_wait3A_14 : memref<576x128xf32, #tpu.memory_space<hbm>>)
      tpu.yield
    }) : () -> ()
    return
  }
}

#map = affine_map<(d0, d1) -> (0, 0)>
#map1 = affine_map<(d0, d1) -> (0)>
module attributes {stable_mosaic.version = 14 : i64} {
  func.func @_sc_gather(%arg0: i32, %arg1: i32, %arg2: memref<1024x128xf32, #tpu.memory_space<hbm>>, %arg3: memref<18432xi32, #tpu.memory_space<hbm>>, %arg4: memref<18432x128xf32, #tpu.memory_space<hbm>>, %arg5: memref<576xi32, #tpu.memory_space<vmem>>, %arg6: memref<576x128xf32, #tpu.memory_space<vmem>>, %arg7: memref<!tpu.dma_semaphore, #tpu.memory_space<semaphore_mem>>) attributes {dimension_semantics = [#tpu.dimension_semantics<core_parallel>, #tpu.dimension_semantics<subcore_parallel>], iteration_bounds = array<i64: 2, 16>, scalar_prefetch = 0 : i64, scratch_operands = 3 : i64, tpu.core_type = #tpu.core_type<sc_vector_subcore>, window_params = [{transform_indices = #map}, {transform_indices = #map1}, {transform_indices = #map}]} {
    %mul3A = arith.constant 2 : i32
    %mul3A_0 = arith.muli %arg1, %mul3A : i32
    %add3A = arith.addi %mul3A_0, %arg0 : i32
    %mul3A_1 = arith.constant 576 : i32
    %mul3A_2 = arith.muli %add3A, %mul3A_1 : i32
    "tpu.region"() ({
      %run_scoped3A = tpu.sem_alloc : memref<!tpu.dma_semaphore, #tpu.memory_space<semaphore_mem>>
      %dma_start3A_7 = tpu.memref_slice %arg3[%mul3A_2] : memref<18432xi32, #tpu.memory_space<hbm>> -> memref<576xi32, #tpu.memory_space<hbm>>
      %dma_start3A_8 = tpu.memref_slice %arg3[%mul3A_2] : memref<18432xi32, #tpu.memory_space<hbm>> -> memref<576xi32, #tpu.memory_space<hbm>>
      tpu.enqueue_dma source(%dma_start3A_8 : memref<576xi32, #tpu.memory_space<hbm>>) target(%arg5 : memref<576xi32, #tpu.memory_space<vmem>>) target_semaphore(%run_scoped3A : memref<!tpu.dma_semaphore, #tpu.memory_space<semaphore_mem>>)
      %dma_wait3A_9 = tpu.memref_slice %arg3[%mul3A_2] : memref<18432xi32, #tpu.memory_space<hbm>> -> memref<576xi32, #tpu.memory_space<hbm>>
      %dma_wait3A_10 = tpu.memref_slice %arg3[%mul3A_2] : memref<18432xi32, #tpu.memory_space<hbm>> -> memref<576xi32, #tpu.memory_space<hbm>>
      tpu.wait_dma2 semaphore(%run_scoped3A : memref<!tpu.dma_semaphore, #tpu.memory_space<semaphore_mem>>) src(%dma_wait3A_10 : memref<576xi32, #tpu.memory_space<hbm>>) dst(%arg5 : memref<576xi32, #tpu.memory_space<vmem>>)
      tpu.yield
    }) : () -> ()
    %dma_start3A = arith.constant 0 : i32
    %dma_start3A_3 = arith.constant 0 : i32
    %dma_start3A_4 = tpu.memref_slice %arg2[%dma_start3A, %dma_start3A_3] : memref<1024x128xf32, #tpu.memory_space<hbm>> -> memref<1024x128xf32, #tpu.memory_space<hbm>>
    tpu.enqueue_indirect_dma source(%dma_start3A_4 : memref<1024x128xf32, #tpu.memory_space<hbm>>) target(%arg6 : memref<576x128xf32, #tpu.memory_space<vmem>>) offsets(%arg5 : memref<576xi32, #tpu.memory_space<vmem>>) semaphore(%arg7 : memref<!tpu.dma_semaphore, #tpu.memory_space<semaphore_mem>>)
    %dma_wait3A = arith.constant 0 : i32
    %dma_wait3A_5 = arith.constant 0 : i32
    %dma_wait3A_6 = tpu.memref_slice %arg2[%dma_wait3A, %dma_wait3A_5] : memref<1024x128xf32, #tpu.memory_space<hbm>> -> memref<1024x128xf32, #tpu.memory_space<hbm>>
    tpu.wait_indirect_dma semaphore(%arg7 : memref<!tpu.dma_semaphore, #tpu.memory_space<semaphore_mem>>) src(%dma_wait3A_6 : memref<1024x128xf32, #tpu.memory_space<hbm>>) dst(%arg6 : memref<576x128xf32, #tpu.memory_space<vmem>>)
    "tpu.region"() ({
      %run_scoped3A = tpu.sem_alloc : memref<!tpu.dma_semaphore, #tpu.memory_space<semaphore_mem>>
      %dma_start3A_7 = arith.constant 0 : i32
      %dma_start3A_8 = tpu.memref_slice %arg4[%mul3A_2, %dma_start3A_7] : memref<18432x128xf32, #tpu.memory_space<hbm>> -> memref<576x128xf32, #tpu.memory_space<hbm>>
      %dma_start3A_9 = arith.constant 0 : i32
      %dma_start3A_10 = tpu.memref_slice %arg4[%mul3A_2, %dma_start3A_9] : memref<18432x128xf32, #tpu.memory_space<hbm>> -> memref<576x128xf32, #tpu.memory_space<hbm>>
      tpu.enqueue_dma source(%arg6 : memref<576x128xf32, #tpu.memory_space<vmem>>) target(%dma_start3A_10 : memref<576x128xf32, #tpu.memory_space<hbm>>) target_semaphore(%run_scoped3A : memref<!tpu.dma_semaphore, #tpu.memory_space<semaphore_mem>>)
      %dma_wait3A_11 = arith.constant 0 : i32
      %dma_wait3A_12 = tpu.memref_slice %arg4[%mul3A_2, %dma_wait3A_11] : memref<18432x128xf32, #tpu.memory_space<hbm>> -> memref<576x128xf32, #tpu.memory_space<hbm>>
      %dma_wait3A_13 = arith.constant 0 : i32
      %dma_wait3A_14 = tpu.memref_slice %arg4[%mul3A_2, %dma_wait3A_13] : memref<18432x128xf32, #tpu.memory_space<hbm>> -> memref<576x128xf32, #tpu.memory_space<hbm>>
      tpu.wait_dma2 semaphore(%run_scoped3A : memref<!tpu.dma_semaphore, #tpu.memory_space<semaphore_mem>>) src(%arg6 : memref<576x128xf32, #tpu.memory_space<vmem>>) dst(%dma_wait3A_14 : memref<576x128xf32, #tpu.memory_space<hbm>>)
      tpu.yield
    }) : () -> ()
    return
  }
}

#map = affine_map<(d0, d1) -> (0, 0)>
#map1 = affine_map<(d0, d1) -> (0)>
module attributes {stable_mosaic.version = 14 : i64} {
  func.func @_sc_gather(%arg0: i32, %arg1: i32, %arg2: memref<1024x128xf32, #tpu.memory_space<hbm>>, %arg3: memref<18432xi32, #tpu.memory_space<hbm>>, %arg4: memref<18432x128xf32, #tpu.memory_space<hbm>>, %arg5: memref<576xi32, #tpu.memory_space<vmem>>, %arg6: memref<576x128xf32, #tpu.memory_space<vmem>>, %arg7: memref<!tpu.dma_semaphore, #tpu.memory_space<semaphore_mem>>) attributes {dimension_semantics = [#tpu.dimension_semantics<core_parallel>, #tpu.dimension_semantics<subcore_parallel>], iteration_bounds = array<i64: 2, 16>, scalar_prefetch = 0 : i64, scratch_operands = 3 : i64, tpu.core_type = #tpu.core_type<sc_vector_subcore>, window_params = [{transform_indices = #map}, {transform_indices = #map1}, {transform_indices = #map}]} {
    %mul3A = arith.constant 2 : i32
    %mul3A_0 = arith.muli %arg1, %mul3A : i32
    %add3A = arith.addi %mul3A_0, %arg0 : i32
    %mul3A_1 = arith.constant 576 : i32
    %mul3A_2 = arith.muli %add3A, %mul3A_1 : i32
    "tpu.region"() ({
      %run_scoped3A = tpu.sem_alloc : memref<!tpu.dma_semaphore, #tpu.memory_space<semaphore_mem>>
      %dma_start3A_7 = tpu.memref_slice %arg3[%mul3A_2] : memref<18432xi32, #tpu.memory_space<hbm>> -> memref<576xi32, #tpu.memory_space<hbm>>
      %dma_start3A_8 = tpu.memref_slice %arg3[%mul3A_2] : memref<18432xi32, #tpu.memory_space<hbm>> -> memref<576xi32, #tpu.memory_space<hbm>>
      tpu.enqueue_dma source(%dma_start3A_8 : memref<576xi32, #tpu.memory_space<hbm>>) target(%arg5 : memref<576xi32, #tpu.memory_space<vmem>>) target_semaphore(%run_scoped3A : memref<!tpu.dma_semaphore, #tpu.memory_space<semaphore_mem>>)
      %dma_wait3A_9 = tpu.memref_slice %arg3[%mul3A_2] : memref<18432xi32, #tpu.memory_space<hbm>> -> memref<576xi32, #tpu.memory_space<hbm>>
      %dma_wait3A_10 = tpu.memref_slice %arg3[%mul3A_2] : memref<18432xi32, #tpu.memory_space<hbm>> -> memref<576xi32, #tpu.memory_space<hbm>>
      tpu.wait_dma2 semaphore(%run_scoped3A : memref<!tpu.dma_semaphore, #tpu.memory_space<semaphore_mem>>) src(%dma_wait3A_10 : memref<576xi32, #tpu.memory_space<hbm>>) dst(%arg5 : memref<576xi32, #tpu.memory_space<vmem>>)
      tpu.yield
    }) : () -> ()
    %dma_start3A = arith.constant 0 : i32
    %dma_start3A_3 = arith.constant 0 : i32
    %dma_start3A_4 = tpu.memref_slice %arg2[%dma_start3A, %dma_start3A_3] : memref<1024x128xf32, #tpu.memory_space<hbm>> -> memref<1024x128xf32, #tpu.memory_space<hbm>>
    tpu.enqueue_indirect_dma source(%dma_start3A_4 : memref<1024x128xf32, #tpu.memory_space<hbm>>) target(%arg6 : memref<576x128xf32, #tpu.memory_space<vmem>>) offsets(%arg5 : memref<576xi32, #tpu.memory_space<vmem>>) semaphore(%arg7 : memref<!tpu.dma_semaphore, #tpu.memory_space<semaphore_mem>>)
    %dma_wait3A = arith.constant 0 : i32
    %dma_wait3A_5 = arith.constant 0 : i32
    %dma_wait3A_6 = tpu.memref_slice %arg2[%dma_wait3A, %dma_wait3A_5] : memref<1024x128xf32, #tpu.memory_space<hbm>> -> memref<1024x128xf32, #tpu.memory_space<hbm>>
    tpu.wait_indirect_dma semaphore(%arg7 : memref<!tpu.dma_semaphore, #tpu.memory_space<semaphore_mem>>) src(%dma_wait3A_6 : memref<1024x128xf32, #tpu.memory_space<hbm>>) dst(%arg6 : memref<576x128xf32, #tpu.memory_space<vmem>>)
    "tpu.region"() ({
      %run_scoped3A = tpu.sem_alloc : memref<!tpu.dma_semaphore, #tpu.memory_space<semaphore_mem>>
      %dma_start3A_7 = arith.constant 0 : i32
      %dma_start3A_8 = tpu.memref_slice %arg4[%mul3A_2, %dma_start3A_7] : memref<18432x128xf32, #tpu.memory_space<hbm>> -> memref<576x128xf32, #tpu.memory_space<hbm>>
      %dma_start3A_9 = arith.constant 0 : i32
      %dma_start3A_10 = tpu.memref_slice %arg4[%mul3A_2, %dma_start3A_9] : memref<18432x128xf32, #tpu.memory_space<hbm>> -> memref<576x128xf32, #tpu.memory_space<hbm>>
      tpu.enqueue_dma source(%arg6 : memref<576x128xf32, #tpu.memory_space<vmem>>) target(%dma_start3A_10 : memref<576x128xf32, #tpu.memory_space<hbm>>) target_semaphore(%run_scoped3A : memref<!tpu.dma_semaphore, #tpu.memory_space<semaphore_mem>>)
      %dma_wait3A_11 = arith.constant 0 : i32
      %dma_wait3A_12 = tpu.memref_slice %arg4[%mul3A_2, %dma_wait3A_11] : memref<18432x128xf32, #tpu.memory_space<hbm>> -> memref<576x128xf32, #tpu.memory_space<hbm>>
      %dma_wait3A_13 = arith.constant 0 : i32
      %dma_wait3A_14 = tpu.memref_slice %arg4[%mul3A_2, %dma_wait3A_13] : memref<18432x128xf32, #tpu.memory_space<hbm>> -> memref<576x128xf32, #tpu.memory_space<hbm>>
      tpu.wait_dma2 semaphore(%run_scoped3A : memref<!tpu.dma_semaphore, #tpu.memory_space<semaphore_mem>>) src(%arg6 : memref<576x128xf32, #tpu.memory_space<vmem>>) dst(%dma_wait3A_14 : memref<576x128xf32, #tpu.memory_space<hbm>>)
      tpu.yield
    }) : () -> ()
    return
  }
}

#map = affine_map<(d0, d1) -> (0, 0)>
#map1 = affine_map<(d0, d1) -> (0)>
module attributes {stable_mosaic.version = 14 : i64} {
  func.func @_sc_gather(%arg0: i32, %arg1: i32, %arg2: memref<1024x128xf32, #tpu.memory_space<hbm>>, %arg3: memref<18432xi32, #tpu.memory_space<hbm>>, %arg4: memref<18432x128xf32, #tpu.memory_space<hbm>>, %arg5: memref<576xi32, #tpu.memory_space<vmem>>, %arg6: memref<576x128xf32, #tpu.memory_space<vmem>>, %arg7: memref<!tpu.dma_semaphore, #tpu.memory_space<semaphore_mem>>) attributes {dimension_semantics = [#tpu.dimension_semantics<core_parallel>, #tpu.dimension_semantics<subcore_parallel>], iteration_bounds = array<i64: 2, 16>, scalar_prefetch = 0 : i64, scratch_operands = 3 : i64, tpu.core_type = #tpu.core_type<sc_vector_subcore>, window_params = [{transform_indices = #map}, {transform_indices = #map1}, {transform_indices = #map}]} {
    %mul3A = arith.constant 2 : i32
    %mul3A_0 = arith.muli %arg1, %mul3A : i32
    %add3A = arith.addi %mul3A_0, %arg0 : i32
    %mul3A_1 = arith.constant 576 : i32
    %mul3A_2 = arith.muli %add3A, %mul3A_1 : i32
    "tpu.region"() ({
      %run_scoped3A = tpu.sem_alloc : memref<!tpu.dma_semaphore, #tpu.memory_space<semaphore_mem>>
      %dma_start3A_7 = tpu.memref_slice %arg3[%mul3A_2] : memref<18432xi32, #tpu.memory_space<hbm>> -> memref<576xi32, #tpu.memory_space<hbm>>
      %dma_start3A_8 = tpu.memref_slice %arg3[%mul3A_2] : memref<18432xi32, #tpu.memory_space<hbm>> -> memref<576xi32, #tpu.memory_space<hbm>>
      tpu.enqueue_dma source(%dma_start3A_8 : memref<576xi32, #tpu.memory_space<hbm>>) target(%arg5 : memref<576xi32, #tpu.memory_space<vmem>>) target_semaphore(%run_scoped3A : memref<!tpu.dma_semaphore, #tpu.memory_space<semaphore_mem>>)
      %dma_wait3A_9 = tpu.memref_slice %arg3[%mul3A_2] : memref<18432xi32, #tpu.memory_space<hbm>> -> memref<576xi32, #tpu.memory_space<hbm>>
      %dma_wait3A_10 = tpu.memref_slice %arg3[%mul3A_2] : memref<18432xi32, #tpu.memory_space<hbm>> -> memref<576xi32, #tpu.memory_space<hbm>>
      tpu.wait_dma2 semaphore(%run_scoped3A : memref<!tpu.dma_semaphore, #tpu.memory_space<semaphore_mem>>) src(%dma_wait3A_10 : memref<576xi32, #tpu.memory_space<hbm>>) dst(%arg5 : memref<576xi32, #tpu.memory_space<vmem>>)
      tpu.yield
    }) : () -> ()
    %dma_start3A = arith.constant 0 : i32
    %dma_start3A_3 = arith.constant 0 : i32
    %dma_start3A_4 = tpu.memref_slice %arg2[%dma_start3A, %dma_start3A_3] : memref<1024x128xf32, #tpu.memory_space<hbm>> -> memref<1024x128xf32, #tpu.memory_space<hbm>>
    tpu.enqueue_indirect_dma source(%dma_start3A_4 : memref<1024x128xf32, #tpu.memory_space<hbm>>) target(%arg6 : memref<576x128xf32, #tpu.memory_space<vmem>>) offsets(%arg5 : memref<576xi32, #tpu.memory_space<vmem>>) semaphore(%arg7 : memref<!tpu.dma_semaphore, #tpu.memory_space<semaphore_mem>>)
    %dma_wait3A = arith.constant 0 : i32
    %dma_wait3A_5 = arith.constant 0 : i32
    %dma_wait3A_6 = tpu.memref_slice %arg2[%dma_wait3A, %dma_wait3A_5] : memref<1024x128xf32, #tpu.memory_space<hbm>> -> memref<1024x128xf32, #tpu.memory_space<hbm>>
    tpu.wait_indirect_dma semaphore(%arg7 : memref<!tpu.dma_semaphore, #tpu.memory_space<semaphore_mem>>) src(%dma_wait3A_6 : memref<1024x128xf32, #tpu.memory_space<hbm>>) dst(%arg6 : memref<576x128xf32, #tpu.memory_space<vmem>>)
    "tpu.region"() ({
      %run_scoped3A = tpu.sem_alloc : memref<!tpu.dma_semaphore, #tpu.memory_space<semaphore_mem>>
      %dma_start3A_7 = arith.constant 0 : i32
      %dma_start3A_8 = tpu.memref_slice %arg4[%mul3A_2, %dma_start3A_7] : memref<18432x128xf32, #tpu.memory_space<hbm>> -> memref<576x128xf32, #tpu.memory_space<hbm>>
      %dma_start3A_9 = arith.constant 0 : i32
      %dma_start3A_10 = tpu.memref_slice %arg4[%mul3A_2, %dma_start3A_9] : memref<18432x128xf32, #tpu.memory_space<hbm>> -> memref<576x128xf32, #tpu.memory_space<hbm>>
      tpu.enqueue_dma source(%arg6 : memref<576x128xf32, #tpu.memory_space<vmem>>) target(%dma_start3A_10 : memref<576x128xf32, #tpu.memory_space<hbm>>) target_semaphore(%run_scoped3A : memref<!tpu.dma_semaphore, #tpu.memory_space<semaphore_mem>>)
      %dma_wait3A_11 = arith.constant 0 : i32
      %dma_wait3A_12 = tpu.memref_slice %arg4[%mul3A_2, %dma_wait3A_11] : memref<18432x128xf32, #tpu.memory_space<hbm>> -> memref<576x128xf32, #tpu.memory_space<hbm>>
      %dma_wait3A_13 = arith.constant 0 : i32
      %dma_wait3A_14 = tpu.memref_slice %arg4[%mul3A_2, %dma_wait3A_13] : memref<18432x128xf32, #tpu.memory_space<hbm>> -> memref<576x128xf32, #tpu.memory_space<hbm>>
      tpu.wait_dma2 semaphore(%run_scoped3A : memref<!tpu.dma_semaphore, #tpu.memory_space<semaphore_mem>>) src(%arg6 : memref<576x128xf32, #tpu.memory_space<vmem>>) dst(%dma_wait3A_14 : memref<576x128xf32, #tpu.memory_space<hbm>>)
      tpu.yield
    }) : () -> ()
    return
  }
}

module attributes {stable_mosaic.version = 14 : i64} {
  func.func @_tc_level_kernel(%arg0: i32, %arg1: memref<1024x64xf32, #tpu.memory_space<vmem>>, %arg2: memref<1024x128xf32, #tpu.memory_space<vmem>>, %arg3: memref<1024x64xf32, #tpu.memory_space<vmem>>, %arg4: memref<1024x3xbf16, #tpu.memory_space<vmem>>, %arg5: memref<1x1024xf32, #tpu.memory_space<vmem>>, %arg6: memref<1024x1xi32, #tpu.memory_space<vmem>>, %arg7: memref<1x1024xf32, #tpu.memory_space<vmem>>, %arg8: memref<1024x64xf32, #tpu.memory_space<vmem>>, %arg9: memref<1x1xf32, #tpu.memory_space<vmem>>) attributes {dimension_semantics = [#tpu.dimension_semantics<arbitrary>], iteration_bounds = array<i64: 18>, scalar_prefetch = 0 : i64, scratch_operands = 0 : i64, tpu.core_type = #tpu.core_type<tc>, window_params = [{transform_indices = @transform_0, window_bounds = array<i64: 1024, 64>}, {transform_indices = @transform_1, window_bounds = array<i64: 1024, 128>}, {pipeline_mode = #tpu.pipeline_mode<synchronous>, transform_indices = @transform_2, window_bounds = array<i64: 1024, 64>}, {pipeline_mode = #tpu.pipeline_mode<synchronous>, transform_indices = @transform_3, window_bounds = array<i64: 1024, 3>}, {pipeline_mode = #tpu.pipeline_mode<synchronous>, transform_indices = @transform_4, window_bounds = array<i64: 1, 1024>}, {transform_indices = @transform_5, window_bounds = array<i64: 1024, 1>}, {pipeline_mode = #tpu.pipeline_mode<synchronous>, transform_indices = @transform_6, window_bounds = array<i64: 1, 1024>}, {transform_indices = @transform_7, window_bounds = array<i64: 1024, 64>}, {pipeline_mode = #tpu.pipeline_mode<synchronous>, transform_indices = @transform_8, window_bounds = array<i64: 1, 1>}]} {
    %eq3A = arith.constant 0 : i32
    %eq3A_0 = arith.cmpi eq, %arg0, %eq3A : i32
    %convert_element_type3A = arith.extui %eq3A_0 : i1 to i32
    %cond3A = arith.constant 0 : i32
    %cond3A_1 = arith.cmpi ne, %convert_element_type3A, %cond3A : i32
    scf.if %cond3A_1 {
      %broadcast_in_dim3A_59 = arith.constant 0.000000e+00 : f32
      %broadcast_in_dim3A_60 = vector.broadcast %broadcast_in_dim3A_59 : f32 to vector<1x1024xf32>
      %swap3A_61 = arith.constant 0 : index
      %swap3A_62 = arith.constant 0 : index
      %swap3A_63 = vector.load %arg7[%swap3A_61, %swap3A_62] : memref<1x1024xf32, #tpu.memory_space<vmem>>, vector<1x1024xf32>
      tpu.vector_store %arg7[%swap3A_61, %swap3A_62], %broadcast_in_dim3A_60 {strides = array<i32>} : memref<1x1024xf32, #tpu.memory_space<vmem>>, vector<1x1024xf32>,
      %broadcast_in_dim3A_64 = arith.constant 0.000000e+00 : f32
      %broadcast_in_dim3A_65 = vector.broadcast %broadcast_in_dim3A_64 : f32 to vector<1x1xf32>
      %swap3A_66 = arith.constant 0 : index
      %swap3A_67 = arith.constant 0 : index
      %swap3A_68 = vector.load %arg9[%swap3A_66, %swap3A_67] : memref<1x1xf32, #tpu.memory_space<vmem>>, vector<1x1xf32>
      tpu.vector_store %arg9[%swap3A_66, %swap3A_67], %broadcast_in_dim3A_65 {strides = array<i32>} : memref<1x1xf32, #tpu.memory_space<vmem>>, vector<1x1xf32>,
    } else {
    }
    %get3A = arith.constant 0 : index
    %get3A_2 = arith.constant 0 : index
    %get3A_3 = vector.load %arg1[%get3A, %get3A_2] : memref<1024x64xf32, #tpu.memory_space<vmem>>, vector<1024x64xf32>
    %swap3A = arith.constant 0 : index
    %swap3A_4 = arith.constant 0 : index
    %swap3A_5 = vector.load %arg8[%swap3A, %swap3A_4] : memref<1024x64xf32, #tpu.memory_space<vmem>>, vector<1024x64xf32>
    tpu.vector_store %arg8[%swap3A, %swap3A_4], %get3A_3 {strides = array<i32>} : memref<1024x64xf32, #tpu.memory_space<vmem>>, vector<1024x64xf32>,
    %iota3A = tpu.iota {dimensions = array<i32: 1>} : vector<1024x1024xi32>
    %broadcast_in_dim3A = arith.constant 1.000000e+00 : bf16
    %broadcast_in_dim3A_6 = vector.broadcast %broadcast_in_dim3A : bf16 to vector<1x1024xbf16>
    %get3A_7 = arith.constant 0 : index
    %get3A_8 = arith.constant 0 : index
    %get3A_9 = vector.load %arg5[%get3A_7, %get3A_8] : memref<1x1024xf32, #tpu.memory_space<vmem>>, vector<1x1024xf32>
    %mul3A = arith.constant -2.000000e+00 : f32
    %mul3A_10 = vector.broadcast %mul3A : f32 to vector<1024x64xf32>
    %mul3A_11 = arith.mulf %mul3A_10, %get3A_3 : vector<1024x64xf32>
    %get3A_12 = arith.constant 0 : index
    %get3A_13 = arith.constant 0 : index
    %get3A_14 = vector.load %arg3[%get3A_12, %get3A_13] : memref<1024x64xf32, #tpu.memory_space<vmem>>, vector<1024x64xf32>
    %dot_general3A = arith.constant dense<0.000000e+00> : vector<1024x1024xf32>
    %dot_general3A_15 = tpu.matmul %mul3A_11, %get3A_14, %dot_general3A {dimension_numbers = #tpu.dot_dimension_numbers<[1], [1], [0], [0], [0, 0, 1, 0], [], []>, transpose_lhs_hint = false} : vector<1024x64xf32>, vector<1024x64xf32>, vector<1024x1024xf32> -> vector<1024x1024xf32>
    %mul3A_16 = arith.mulf %get3A_3, %get3A_3 : vector<1024x64xf32>
    %reduce_sum3A = arith.constant dense<0.000000e+00> : vector<1024xf32>
    %reduce_sum3A_17 = vector.multi_reduction <add>, %mul3A_16, %reduce_sum3A [1] : vector<1024x64xf32> to vector<1024xf32>
    %broadcast_in_dim3A_18 = vector.shape_cast %reduce_sum3A_17 : vector<1024xf32> to vector<1024x1xf32>
    %add3A = vector.broadcast %broadcast_in_dim3A_18 : vector<1024x1xf32> to vector<1024x1024xf32>
    %add3A_19 = arith.addf %add3A, %dot_general3A_15 : vector<1024x1024xf32>
    %add3A_20 = vector.broadcast %get3A_9 : vector<1x1024xf32> to vector<1024x1024xf32>
    %add3A_21 = arith.addf %add3A_19, %add3A_20 : vector<1024x1024xf32>
    %reduce_min3A = arith.constant dense<0x7F800000> : vector<1024xf32>
    %reduce_min3A_22 = vector.multi_reduction <minimumf>, %add3A_21, %reduce_min3A [1] : vector<1024x1024xf32> to vector<1024xf32>
    %broadcast_in_dim3A_23 = vector.shape_cast %reduce_min3A_22 : vector<1024xf32> to vector<1024x1xf32>
    %eq3A_24 = vector.broadcast %broadcast_in_dim3A_23 : vector<1024x1xf32> to vector<1024x1024xf32>
    %eq3A_25 = arith.cmpf oeq, %add3A_21, %eq3A_24 : vector<1024x1024xf32>
    %convert_element_type3A_26 = arith.extui %eq3A_25 : vector<1024x1024xi1> to vector<1024x1024xi32>
    %convert_element_type3A_27 = arith.sitofp %convert_element_type3A_26 : vector<1024x1024xi32> to vector<1024x1024xf32>
    %convert_element_type3A_28 = arith.truncf %convert_element_type3A_27 : vector<1024x1024xf32> to vector<1024x1024xbf16>
    %get3A_29 = arith.constant 0 : index
    %get3A_30 = arith.constant 0 : index
    %get3A_31 = vector.load %arg4[%get3A_29, %get3A_30] : memref<1024x3xbf16, #tpu.memory_space<vmem>>, vector<1024x3xbf16>
    %dot_general3A_32 = arith.constant dense<0.000000e+00> : vector<1024x3xf32>
    %dot_general3A_33 = tpu.matmul %convert_element_type3A_28, %get3A_31, %dot_general3A_32 {dimension_numbers = #tpu.dot_dimension_numbers<[1], [0], [0], [1], [0, 0, 1, 1], [], []>, transpose_lhs_hint = false} : vector<1024x1024xbf16>, vector<1024x3xbf16>, vector<1024x3xf32> -> vector<1024x3xf32>
    %slice3A = vector.extract_strided_slice %dot_general3A_33 {offsets = [0, 0], sizes = [1024, 1], strides = [1, 1]} : vector<1024x3xf32> to vector<1024x1xf32>
    %slice3A_34 = vector.extract_strided_slice %dot_general3A_33 {offsets = [0, 1], sizes = [1024, 1], strides = [1, 1]} : vector<1024x3xf32> to vector<1024x1xf32>
    %add3A_35 = arith.addf %slice3A, %slice3A_34 : vector<1024x1xf32>
    %convert_element_type3A_36 = arith.fptosi %add3A_35 : vector<1024x1xf32> to vector<1024x1xi32>
    %dot_general3A_37 = arith.constant dense<0.000000e+00> : vector<1x1024xf32>
    %dot_general3A_38 = tpu.matmul %broadcast_in_dim3A_6, %convert_element_type3A_28, %dot_general3A_37 {dimension_numbers = #tpu.dot_dimension_numbers<[1], [0], [0], [1], [0, 0, 1, 1], [], []>, transpose_lhs_hint = false} : vector<1x1024xbf16>, vector<1024x1024xbf16>, vector<1x1024xf32> -> vector<1x1024xf32>
    %slice3A_39 = vector.extract_strided_slice %dot_general3A_33 {offsets = [0, 2], sizes = [1024, 1], strides = [1, 1]} : vector<1024x3xf32> to vector<1024x1xf32>
    %reduce_max3A = vector.shape_cast %slice3A_39 : vector<1024x1xf32> to vector<1x1024x1xf32>
    %reduce_max3A_40 = arith.constant dense<0xFF800000> : vector<1xf32>
    %reduce_max3A_41 = vector.multi_reduction <maximumf>, %reduce_max3A, %reduce_max3A_40 [1, 2] : vector<1x1024x1xf32> to vector<1xf32>
    %reduce_max3A_42 = vector.shape_cast %reduce_max3A_41 : vector<1xf32> to vector<1x1x1xf32>
    %reduce_max3A_43 = vector.extract %reduce_max3A_42[0, 0, 0] : f32 from vector<1x1x1xf32>
    %gt3A = arith.constant 1.500000e+00 : f32
    %gt3A_44 = arith.cmpf ogt, %reduce_max3A_43, %gt3A : f32
    %convert_element_type3A_45 = arith.extui %gt3A_44 : i1 to i32
    %cond3A_46 = arith.constant 0 : i32
    %cond3A_47 = arith.cmpi ne, %convert_element_type3A_45, %cond3A_46 : i32
    %cond3A_48:2 = scf.if %cond3A_47 -> (vector<1024x1xi32>, vector<1x1024xf32>) {
      %jit3A = arith.constant 1024 : i32
      %broadcast_in_dim3A_59 = vector.broadcast %jit3A : i32 to vector<1024x1024xi32>
      %select_n3A = arith.select %eq3A_25, %iota3A, %broadcast_in_dim3A_59 : vector<1024x1024xi1>, vector<1024x1024xi32>
      %reduce_min3A_60 = arith.constant dense<2147483647> : vector<1024xi32>
      %reduce_min3A_61 = vector.multi_reduction <minsi>, %select_n3A, %reduce_min3A_60 [1] : vector<1024x1024xi32> to vector<1024xi32>
      %broadcast_in_dim3A_62 = vector.shape_cast %reduce_min3A_61 : vector<1024xi32> to vector<1024x1xi32>
      %eq3A_63 = vector.broadcast %broadcast_in_dim3A_62 : vector<1024x1xi32> to vector<1024x1024xi32>
      %eq3A_64 = arith.cmpi eq, %iota3A, %eq3A_63 : vector<1024x1024xi32>
      %convert_element_type3A_65 = arith.extui %eq3A_64 : vector<1024x1024xi1> to vector<1024x1024xi32>
      %convert_element_type3A_66 = arith.sitofp %convert_element_type3A_65 : vector<1024x1024xi32> to vector<1024x1024xf32>
      %convert_element_type3A_67 = arith.truncf %convert_element_type3A_66 : vector<1024x1024xf32> to vector<1024x1024xbf16>
      %dot_general3A_68 = arith.constant dense<0.000000e+00> : vector<1x1024xf32>
      %dot_general3A_69 = tpu.matmul %broadcast_in_dim3A_6, %convert_element_type3A_67, %dot_general3A_68 {dimension_numbers = #tpu.dot_dimension_numbers<[1], [0], [0], [1], [0, 0, 1, 1], [], []>, transpose_lhs_hint = false} : vector<1x1024xbf16>, vector<1024x1024xbf16>, vector<1x1024xf32> -> vector<1x1024xf32>
      scf.yield %broadcast_in_dim3A_62, %dot_general3A_69 : vector<1024x1xi32>, vector<1x1024xf32>
    } else {
      scf.yield %convert_element_type3A_36, %dot_general3A_38 : vector<1024x1xi32>, vector<1x1024xf32>
    }
    %swap3A_49 = arith.constant 0 : index
    %swap3A_50 = arith.constant 0 : index
    %swap3A_51 = vector.load %arg6[%swap3A_49, %swap3A_50] : memref<1024x1xi32, #tpu.memory_space<vmem>>, vector<1024x1xi32>
    tpu.vector_store %arg6[%swap3A_49, %swap3A_50], %cond3A_48#0 {strides = array<i32>} : memref<1024x1xi32, #tpu.memory_space<vmem>>, vector<1024x1xi32>,
    %get3A_52 = arith.constant 0 : index
    %get3A_53 = arith.constant 0 : index
    %get3A_54 = vector.load %arg7[%get3A_52, %get3A_53] : memref<1x1024xf32, #tpu.memory_space<vmem>>, vector<1x1024xf32>
    %add3A_55 = arith.addf %get3A_54, %cond3A_48#1 : vector<1x1024xf32>
    %swap3A_56 = arith.constant 0 : index
    %swap3A_57 = arith.constant 0 : index
    %swap3A_58 = vector.load %arg7[%swap3A_56, %swap3A_57] : memref<1x1024xf32, #tpu.memory_space<vmem>>, vector<1x1024xf32>
    tpu.vector_store %arg7[%swap3A_56, %swap3A_57], %add3A_55 {strides = array<i32>} : memref<1x1024xf32, #tpu.memory_space<vmem>>, vector<1x1024xf32>,
    return
  }
  func.func @transform_0(%arg0: i32) -> (i32, i32) {
    %c0_i32 = arith.constant 0 : i32
    %c0_i32_0 = arith.constant 0 : i32
    return %arg0, %c0_i32 : i32, i32
  }
  func.func @transform_1(%arg0: i32) -> (i32, i32) {
    %c0_i32 = arith.constant 0 : i32
    %c0_i32_0 = arith.constant 0 : i32
    return %arg0, %c0_i32 : i32, i32
  }
  func.func @transform_2(%arg0: i32) -> (i32, i32) {
    %c0_i32 = arith.constant 0 : i32
    %c0_i32_0 = arith.constant 0 : i32
    %c0_i32_1 = arith.constant 0 : i32
    return %c0_i32, %c0_i32_0 : i32, i32
  }
  func.func @transform_3(%arg0: i32) -> (i32, i32) {
    %c0_i32 = arith.constant 0 : i32
    %c0_i32_0 = arith.constant 0 : i32
    %c0_i32_1 = arith.constant 0 : i32
    return %c0_i32, %c0_i32_0 : i32, i32
  }
  func.func @transform_4(%arg0: i32) -> (i32, i32) {
    %c0_i32 = arith.constant 0 : i32
    %c0_i32_0 = arith.constant 0 : i32
    %c0_i32_1 = arith.constant 0 : i32
    return %c0_i32, %c0_i32_0 : i32, i32
  }
  func.func @transform_5(%arg0: i32) -> (i32, i32) {
    %c0_i32 = arith.constant 0 : i32
    %c0_i32_0 = arith.constant 0 : i32
    return %arg0, %c0_i32 : i32, i32
  }
  func.func @transform_6(%arg0: i32) -> (i32, i32) {
    %c0_i32 = arith.constant 0 : i32
    %c0_i32_0 = arith.constant 0 : i32
    %c0_i32_1 = arith.constant 0 : i32
    return %c0_i32, %c0_i32_0 : i32, i32
  }
  func.func @transform_7(%arg0: i32) -> (i32, i32) {
    %c0_i32 = arith.constant 0 : i32
    %c0_i32_0 = arith.constant 0 : i32
    return %arg0, %c0_i32 : i32, i32
  }
  func.func @transform_8(%arg0: i32) -> (i32, i32) {
    %c0_i32 = arith.constant 0 : i32
    %c0_i32_0 = arith.constant 0 : i32
    %c0_i32_1 = arith.constant 0 : i32
    return %c0_i32, %c0_i32_0 : i32, i32
  }
}

module attributes {stable_mosaic.version = 14 : i64} {
  func.func @_tc_level_kernel(%arg0: i32, %arg1: memref<1024x64xf32, #tpu.memory_space<vmem>>, %arg2: memref<1024x128xf32, #tpu.memory_space<vmem>>, %arg3: memref<1024x64xf32, #tpu.memory_space<vmem>>, %arg4: memref<1024x3xbf16, #tpu.memory_space<vmem>>, %arg5: memref<1x1024xf32, #tpu.memory_space<vmem>>, %arg6: memref<1024x1xi32, #tpu.memory_space<vmem>>, %arg7: memref<1x1024xf32, #tpu.memory_space<vmem>>, %arg8: memref<1024x64xf32, #tpu.memory_space<vmem>>, %arg9: memref<1x1xf32, #tpu.memory_space<vmem>>) attributes {dimension_semantics = [#tpu.dimension_semantics<arbitrary>], iteration_bounds = array<i64: 18>, scalar_prefetch = 0 : i64, scratch_operands = 0 : i64, tpu.core_type = #tpu.core_type<tc>, window_params = [{transform_indices = @transform_0, window_bounds = array<i64: 1024, 64>}, {transform_indices = @transform_1, window_bounds = array<i64: 1024, 128>}, {pipeline_mode = #tpu.pipeline_mode<synchronous>, transform_indices = @transform_2, window_bounds = array<i64: 1024, 64>}, {pipeline_mode = #tpu.pipeline_mode<synchronous>, transform_indices = @transform_3, window_bounds = array<i64: 1024, 3>}, {pipeline_mode = #tpu.pipeline_mode<synchronous>, transform_indices = @transform_4, window_bounds = array<i64: 1, 1024>}, {transform_indices = @transform_5, window_bounds = array<i64: 1024, 1>}, {pipeline_mode = #tpu.pipeline_mode<synchronous>, transform_indices = @transform_6, window_bounds = array<i64: 1, 1024>}, {transform_indices = @transform_7, window_bounds = array<i64: 1024, 64>}, {pipeline_mode = #tpu.pipeline_mode<synchronous>, transform_indices = @transform_8, window_bounds = array<i64: 1, 1>}]} {
    %eq3A = arith.constant 0 : i32
    %eq3A_0 = arith.cmpi eq, %arg0, %eq3A : i32
    %convert_element_type3A = arith.extui %eq3A_0 : i1 to i32
    %cond3A = arith.constant 0 : i32
    %cond3A_1 = arith.cmpi ne, %convert_element_type3A, %cond3A : i32
    scf.if %cond3A_1 {
      %broadcast_in_dim3A_86 = arith.constant 0.000000e+00 : f32
      %broadcast_in_dim3A_87 = vector.broadcast %broadcast_in_dim3A_86 : f32 to vector<1x1024xf32>
      %swap3A_88 = arith.constant 0 : index
      %swap3A_89 = arith.constant 0 : index
      %swap3A_90 = vector.load %arg7[%swap3A_88, %swap3A_89] : memref<1x1024xf32, #tpu.memory_space<vmem>>, vector<1x1024xf32>
      tpu.vector_store %arg7[%swap3A_88, %swap3A_89], %broadcast_in_dim3A_87 {strides = array<i32>} : memref<1x1024xf32, #tpu.memory_space<vmem>>, vector<1x1024xf32>,
      %broadcast_in_dim3A_91 = arith.constant 0.000000e+00 : f32
      %broadcast_in_dim3A_92 = vector.broadcast %broadcast_in_dim3A_91 : f32 to vector<1x1xf32>
      %swap3A_93 = arith.constant 0 : index
      %swap3A_94 = arith.constant 0 : index
      %swap3A_95 = vector.load %arg9[%swap3A_93, %swap3A_94] : memref<1x1xf32, #tpu.memory_space<vmem>>, vector<1x1xf32>
      tpu.vector_store %arg9[%swap3A_93, %swap3A_94], %broadcast_in_dim3A_92 {strides = array<i32>} : memref<1x1xf32, #tpu.memory_space<vmem>>, vector<1x1xf32>,
    } else {
    }
    %get3A = arith.constant 0 : index
    %get3A_2 = arith.constant 0 : index
    %get3A_3 = vector.load %arg1[%get3A, %get3A_2] : memref<1024x64xf32, #tpu.memory_space<vmem>>, vector<1024x64xf32>
    %get3A_4 = arith.constant 0 : index
    %get3A_5 = arith.constant 0 : index
    %get3A_6 = vector.load %arg2[%get3A_4, %get3A_5] : memref<1024x128xf32, #tpu.memory_space<vmem>>, vector<1024x64xf32>
    %sub3A = arith.subf %get3A_6, %get3A_3 : vector<1024x64xf32>
    %add3A = arith.addf %get3A_3, %sub3A : vector<1024x64xf32>
    %sub3A_7 = arith.subf %get3A_3, %get3A_6 : vector<1024x64xf32>
    %mul3A = arith.mulf %sub3A_7, %sub3A_7 : vector<1024x64xf32>
    %get3A_8 = arith.constant 0 : index
    %get3A_9 = arith.constant 0 : index
    %get3A_10 = vector.load %arg9[%get3A_8, %get3A_9] : memref<1x1xf32, #tpu.memory_space<vmem>>, vector<1x1xf32>
    %mul3A_11 = arith.constant 2.500000e-01 : f32
    %mul3A_12 = vector.broadcast %mul3A_11 : f32 to vector<1024x64xf32>
    %mul3A_13 = arith.mulf %mul3A_12, %mul3A : vector<1024x64xf32>
    %add3A_14 = arith.addf %mul3A, %mul3A_13 : vector<1024x64xf32>
    %reduce_sum3A = arith.constant dense<0.000000e+00> : vector<1024xf32>
    %reduce_sum3A_15 = vector.multi_reduction <add>, %add3A_14, %reduce_sum3A [1] : vector<1024x64xf32> to vector<1024xf32>
    %div3A = arith.constant 6.400000e+01 : f32
    %div3A_16 = vector.broadcast %div3A : f32 to vector<1024xf32>
    %div3A_17 = arith.divf %reduce_sum3A_15, %div3A_16 : vector<1024xf32>
    %reduce_sum3A_18 = vector.shape_cast %div3A_17 : vector<1024xf32> to vector<1x1024xf32>
    %reduce_sum3A_19 = arith.constant dense<0.000000e+00> : vector<1xf32>
    %reduce_sum3A_20 = vector.multi_reduction <add>, %reduce_sum3A_18, %reduce_sum3A_19 [1] : vector<1x1024xf32> to vector<1xf32>
    %reduce_sum3A_21 = vector.shape_cast %reduce_sum3A_20 : vector<1xf32> to vector<1x1xf32>
    %reduce_sum3A_22 = vector.extract %reduce_sum3A_21[0, 0] : f32 from vector<1x1xf32>
    %reshape3A = vector.broadcast %reduce_sum3A_22 : f32 to vector<1x1xf32>
    %add3A_23 = arith.addf %get3A_10, %reshape3A : vector<1x1xf32>
    %swap3A = arith.constant 0 : index
    %swap3A_24 = arith.constant 0 : index
    %swap3A_25 = vector.load %arg9[%swap3A, %swap3A_24] : memref<1x1xf32, #tpu.memory_space<vmem>>, vector<1x1xf32>
    tpu.vector_store %arg9[%swap3A, %swap3A_24], %add3A_23 {strides = array<i32>} : memref<1x1xf32, #tpu.memory_space<vmem>>, vector<1x1xf32>,
    %sub3A_26 = arith.subf %get3A_3, %add3A : vector<1024x64xf32>
    %swap3A_27 = arith.constant 0 : index
    %swap3A_28 = arith.constant 0 : index
    %swap3A_29 = vector.load %arg8[%swap3A_27, %swap3A_28] : memref<1024x64xf32, #tpu.memory_space<vmem>>, vector<1024x64xf32>
    tpu.vector_store %arg8[%swap3A_27, %swap3A_28], %sub3A_26 {strides = array<i32>} : memref<1024x64xf32, #tpu.memory_space<vmem>>, vector<1024x64xf32>,
    %iota3A = tpu.iota {dimensions = array<i32: 1>} : vector<1024x1024xi32>
    %broadcast_in_dim3A = arith.constant 1.000000e+00 : bf16
    %broadcast_in_dim3A_30 = vector.broadcast %broadcast_in_dim3A : bf16 to vector<1x1024xbf16>
    %get3A_31 = arith.constant 0 : index
    %get3A_32 = arith.constant 0 : index
    %get3A_33 = vector.load %arg5[%get3A_31, %get3A_32] : memref<1x1024xf32, #tpu.memory_space<vmem>>, vector<1x1024xf32>
    %mul3A_34 = arith.constant -2.000000e+00 : f32
    %mul3A_35 = vector.broadcast %mul3A_34 : f32 to vector<1024x64xf32>
    %mul3A_36 = arith.mulf %mul3A_35, %sub3A_26 : vector<1024x64xf32>
    %get3A_37 = arith.constant 0 : index
    %get3A_38 = arith.constant 0 : index
    %get3A_39 = vector.load %arg3[%get3A_37, %get3A_38] : memref<1024x64xf32, #tpu.memory_space<vmem>>, vector<1024x64xf32>
    %dot_general3A = arith.constant dense<0.000000e+00> : vector<1024x1024xf32>
    %dot_general3A_40 = tpu.matmul %mul3A_36, %get3A_39, %dot_general3A {dimension_numbers = #tpu.dot_dimension_numbers<[1], [1], [0], [0], [0, 0, 1, 0], [], []>, transpose_lhs_hint = false} : vector<1024x64xf32>, vector<1024x64xf32>, vector<1024x1024xf32> -> vector<1024x1024xf32>
    %mul3A_41 = arith.mulf %sub3A_26, %sub3A_26 : vector<1024x64xf32>
    %reduce_sum3A_42 = arith.constant dense<0.000000e+00> : vector<1024xf32>
    %reduce_sum3A_43 = vector.multi_reduction <add>, %mul3A_41, %reduce_sum3A_42 [1] : vector<1024x64xf32> to vector<1024xf32>
    %broadcast_in_dim3A_44 = vector.shape_cast %reduce_sum3A_43 : vector<1024xf32> to vector<1024x1xf32>
    %add3A_45 = vector.broadcast %broadcast_in_dim3A_44 : vector<1024x1xf32> to vector<1024x1024xf32>
    %add3A_46 = arith.addf %add3A_45, %dot_general3A_40 : vector<1024x1024xf32>
    %add3A_47 = vector.broadcast %get3A_33 : vector<1x1024xf32> to vector<1024x1024xf32>
    %add3A_48 = arith.addf %add3A_46, %add3A_47 : vector<1024x1024xf32>
    %reduce_min3A = arith.constant dense<0x7F800000> : vector<1024xf32>
    %reduce_min3A_49 = vector.multi_reduction <minimumf>, %add3A_48, %reduce_min3A [1] : vector<1024x1024xf32> to vector<1024xf32>
    %broadcast_in_dim3A_50 = vector.shape_cast %reduce_min3A_49 : vector<1024xf32> to vector<1024x1xf32>
    %eq3A_51 = vector.broadcast %broadcast_in_dim3A_50 : vector<1024x1xf32> to vector<1024x1024xf32>
    %eq3A_52 = arith.cmpf oeq, %add3A_48, %eq3A_51 : vector<1024x1024xf32>
    %convert_element_type3A_53 = arith.extui %eq3A_52 : vector<1024x1024xi1> to vector<1024x1024xi32>
    %convert_element_type3A_54 = arith.sitofp %convert_element_type3A_53 : vector<1024x1024xi32> to vector<1024x1024xf32>
    %convert_element_type3A_55 = arith.truncf %convert_element_type3A_54 : vector<1024x1024xf32> to vector<1024x1024xbf16>
    %get3A_56 = arith.constant 0 : index
    %get3A_57 = arith.constant 0 : index
    %get3A_58 = vector.load %arg4[%get3A_56, %get3A_57] : memref<1024x3xbf16, #tpu.memory_space<vmem>>, vector<1024x3xbf16>
    %dot_general3A_59 = arith.constant dense<0.000000e+00> : vector<1024x3xf32>
    %dot_general3A_60 = tpu.matmul %convert_element_type3A_55, %get3A_58, %dot_general3A_59 {dimension_numbers = #tpu.dot_dimension_numbers<[1], [0], [0], [1], [0, 0, 1, 1], [], []>, transpose_lhs_hint = false} : vector<1024x1024xbf16>, vector<1024x3xbf16>, vector<1024x3xf32> -> vector<1024x3xf32>
    %slice3A = vector.extract_strided_slice %dot_general3A_60 {offsets = [0, 0], sizes = [1024, 1], strides = [1, 1]} : vector<1024x3xf32> to vector<1024x1xf32>
    %slice3A_61 = vector.extract_strided_slice %dot_general3A_60 {offsets = [0, 1], sizes = [1024, 1], strides = [1, 1]} : vector<1024x3xf32> to vector<1024x1xf32>
    %add3A_62 = arith.addf %slice3A, %slice3A_61 : vector<1024x1xf32>
    %convert_element_type3A_63 = arith.fptosi %add3A_62 : vector<1024x1xf32> to vector<1024x1xi32>
    %dot_general3A_64 = arith.constant dense<0.000000e+00> : vector<1x1024xf32>
    %dot_general3A_65 = tpu.matmul %broadcast_in_dim3A_30, %convert_element_type3A_55, %dot_general3A_64 {dimension_numbers = #tpu.dot_dimension_numbers<[1], [0], [0], [1], [0, 0, 1, 1], [], []>, transpose_lhs_hint = false} : vector<1x1024xbf16>, vector<1024x1024xbf16>, vector<1x1024xf32> -> vector<1x1024xf32>
    %slice3A_66 = vector.extract_strided_slice %dot_general3A_60 {offsets = [0, 2], sizes = [1024, 1], strides = [1, 1]} : vector<1024x3xf32> to vector<1024x1xf32>
    %reduce_max3A = vector.shape_cast %slice3A_66 : vector<1024x1xf32> to vector<1x1024x1xf32>
    %reduce_max3A_67 = arith.constant dense<0xFF800000> : vector<1xf32>
    %reduce_max3A_68 = vector.multi_reduction <maximumf>, %reduce_max3A, %reduce_max3A_67 [1, 2] : vector<1x1024x1xf32> to vector<1xf32>
    %reduce_max3A_69 = vector.shape_cast %reduce_max3A_68 : vector<1xf32> to vector<1x1x1xf32>
    %reduce_max3A_70 = vector.extract %reduce_max3A_69[0, 0, 0] : f32 from vector<1x1x1xf32>
    %gt3A = arith.constant 1.500000e+00 : f32
    %gt3A_71 = arith.cmpf ogt, %reduce_max3A_70, %gt3A : f32
    %convert_element_type3A_72 = arith.extui %gt3A_71 : i1 to i32
    %cond3A_73 = arith.constant 0 : i32
    %cond3A_74 = arith.cmpi ne, %convert_element_type3A_72, %cond3A_73 : i32
    %cond3A_75:2 = scf.if %cond3A_74 -> (vector<1024x1xi32>, vector<1x1024xf32>) {
      %jit3A = arith.constant 1024 : i32
      %broadcast_in_dim3A_86 = vector.broadcast %jit3A : i32 to vector<1024x1024xi32>
      %select_n3A = arith.select %eq3A_52, %iota3A, %broadcast_in_dim3A_86 : vector<1024x1024xi1>, vector<1024x1024xi32>
      %reduce_min3A_87 = arith.constant dense<2147483647> : vector<1024xi32>
      %reduce_min3A_88 = vector.multi_reduction <minsi>, %select_n3A, %reduce_min3A_87 [1] : vector<1024x1024xi32> to vector<1024xi32>
      %broadcast_in_dim3A_89 = vector.shape_cast %reduce_min3A_88 : vector<1024xi32> to vector<1024x1xi32>
      %eq3A_90 = vector.broadcast %broadcast_in_dim3A_89 : vector<1024x1xi32> to vector<1024x1024xi32>
      %eq3A_91 = arith.cmpi eq, %iota3A, %eq3A_90 : vector<1024x1024xi32>
      %convert_element_type3A_92 = arith.extui %eq3A_91 : vector<1024x1024xi1> to vector<1024x1024xi32>
      %convert_element_type3A_93 = arith.sitofp %convert_element_type3A_92 : vector<1024x1024xi32> to vector<1024x1024xf32>
      %convert_element_type3A_94 = arith.truncf %convert_element_type3A_93 : vector<1024x1024xf32> to vector<1024x1024xbf16>
      %dot_general3A_95 = arith.constant dense<0.000000e+00> : vector<1x1024xf32>
      %dot_general3A_96 = tpu.matmul %broadcast_in_dim3A_30, %convert_element_type3A_94, %dot_general3A_95 {dimension_numbers = #tpu.dot_dimension_numbers<[1], [0], [0], [1], [0, 0, 1, 1], [], []>, transpose_lhs_hint = false} : vector<1x1024xbf16>, vector<1024x1024xbf16>, vector<1x1024xf32> -> vector<1x1024xf32>
      scf.yield %broadcast_in_dim3A_89, %dot_general3A_96 : vector<1024x1xi32>, vector<1x1024xf32>
    } else {
      scf.yield %convert_element_type3A_63, %dot_general3A_65 : vector<1024x1xi32>, vector<1x1024xf32>
    }
    %swap3A_76 = arith.constant 0 : index
    %swap3A_77 = arith.constant 0 : index
    %swap3A_78 = vector.load %arg6[%swap3A_76, %swap3A_77] : memref<1024x1xi32, #tpu.memory_space<vmem>>, vector<1024x1xi32>
    tpu.vector_store %arg6[%swap3A_76, %swap3A_77], %cond3A_75#0 {strides = array<i32>} : memref<1024x1xi32, #tpu.memory_space<vmem>>, vector<1024x1xi32>,
    %get3A_79 = arith.constant 0 : index
    %get3A_80 = arith.constant 0 : index
    %get3A_81 = vector.load %arg7[%get3A_79, %get3A_80] : memref<1x1024xf32, #tpu.memory_space<vmem>>, vector<1x1024xf32>
    %add3A_82 = arith.addf %get3A_81, %cond3A_75#1 : vector<1x1024xf32>
    %swap3A_83 = arith.constant 0 : index
    %swap3A_84 = arith.constant 0 : index
    %swap3A_85 = vector.load %arg7[%swap3A_83, %swap3A_84] : memref<1x1024xf32, #tpu.memory_space<vmem>>, vector<1x1024xf32>
    tpu.vector_store %arg7[%swap3A_83, %swap3A_84], %add3A_82 {strides = array<i32>} : memref<1x1024xf32, #tpu.memory_space<vmem>>, vector<1x1024xf32>,
    return
  }
  func.func @transform_0(%arg0: i32) -> (i32, i32) {
    %c0_i32 = arith.constant 0 : i32
    %c0_i32_0 = arith.constant 0 : i32
    return %arg0, %c0_i32 : i32, i32
  }
  func.func @transform_1(%arg0: i32) -> (i32, i32) {
    %c0_i32 = arith.constant 0 : i32
    %c0_i32_0 = arith.constant 0 : i32
    return %arg0, %c0_i32 : i32, i32
  }
  func.func @transform_2(%arg0: i32) -> (i32, i32) {
    %c0_i32 = arith.constant 0 : i32
    %c0_i32_0 = arith.constant 0 : i32
    %c0_i32_1 = arith.constant 0 : i32
    return %c0_i32, %c0_i32_0 : i32, i32
  }
  func.func @transform_3(%arg0: i32) -> (i32, i32) {
    %c0_i32 = arith.constant 0 : i32
    %c0_i32_0 = arith.constant 0 : i32
    %c0_i32_1 = arith.constant 0 : i32
    return %c0_i32, %c0_i32_0 : i32, i32
  }
  func.func @transform_4(%arg0: i32) -> (i32, i32) {
    %c0_i32 = arith.constant 0 : i32
    %c0_i32_0 = arith.constant 0 : i32
    %c0_i32_1 = arith.constant 0 : i32
    return %c0_i32, %c0_i32_0 : i32, i32
  }
  func.func @transform_5(%arg0: i32) -> (i32, i32) {
    %c0_i32 = arith.constant 0 : i32
    %c0_i32_0 = arith.constant 0 : i32
    return %arg0, %c0_i32 : i32, i32
  }
  func.func @transform_6(%arg0: i32) -> (i32, i32) {
    %c0_i32 = arith.constant 0 : i32
    %c0_i32_0 = arith.constant 0 : i32
    %c0_i32_1 = arith.constant 0 : i32
    return %c0_i32, %c0_i32_0 : i32, i32
  }
  func.func @transform_7(%arg0: i32) -> (i32, i32) {
    %c0_i32 = arith.constant 0 : i32
    %c0_i32_0 = arith.constant 0 : i32
    return %arg0, %c0_i32 : i32, i32
  }
  func.func @transform_8(%arg0: i32) -> (i32, i32) {
    %c0_i32 = arith.constant 0 : i32
    %c0_i32_0 = arith.constant 0 : i32
    %c0_i32_1 = arith.constant 0 : i32
    return %c0_i32, %c0_i32_0 : i32, i32
  }
}

module attributes {stable_mosaic.version = 14 : i64} {
  func.func @_tc_final_kernel(%arg0: i32, %arg1: memref<1024x64xf32, #tpu.memory_space<vmem>>, %arg2: memref<1024x64xf32, #tpu.memory_space<vmem>>, %arg3: memref<1024x128xf32, #tpu.memory_space<vmem>>, %arg4: memref<1024x64xf32, #tpu.memory_space<vmem>>, %arg5: memref<1x1xf32, #tpu.memory_space<vmem>>) attributes {dimension_semantics = [#tpu.dimension_semantics<arbitrary>], iteration_bounds = array<i64: 18>, scalar_prefetch = 0 : i64, scratch_operands = 0 : i64, tpu.core_type = #tpu.core_type<tc>, window_params = [{transform_indices = @transform_0, window_bounds = array<i64: 1024, 64>}, {transform_indices = @transform_1, window_bounds = array<i64: 1024, 64>}, {transform_indices = @transform_2, window_bounds = array<i64: 1024, 128>}, {transform_indices = @transform_3, window_bounds = array<i64: 1024, 64>}, {pipeline_mode = #tpu.pipeline_mode<synchronous>, transform_indices = @transform_4, window_bounds = array<i64: 1, 1>}]} {
    %eq3A = arith.constant 0 : i32
    %eq3A_0 = arith.cmpi eq, %arg0, %eq3A : i32
    %convert_element_type3A = arith.extui %eq3A_0 : i1 to i32
    %cond3A = arith.constant 0 : i32
    %cond3A_1 = arith.cmpi ne, %convert_element_type3A, %cond3A : i32
    scf.if %cond3A_1 {
      %broadcast_in_dim3A = arith.constant 0.000000e+00 : f32
      %broadcast_in_dim3A_34 = vector.broadcast %broadcast_in_dim3A : f32 to vector<1x1xf32>
      %swap3A_35 = arith.constant 0 : index
      %swap3A_36 = arith.constant 0 : index
      %swap3A_37 = vector.load %arg5[%swap3A_35, %swap3A_36] : memref<1x1xf32, #tpu.memory_space<vmem>>, vector<1x1xf32>
      tpu.vector_store %arg5[%swap3A_35, %swap3A_36], %broadcast_in_dim3A_34 {strides = array<i32>} : memref<1x1xf32, #tpu.memory_space<vmem>>, vector<1x1xf32>,
    } else {
    }
    %get3A = arith.constant 0 : index
    %get3A_2 = arith.constant 0 : index
    %get3A_3 = vector.load %arg2[%get3A, %get3A_2] : memref<1024x64xf32, #tpu.memory_space<vmem>>, vector<1024x64xf32>
    %get3A_4 = arith.constant 0 : index
    %get3A_5 = arith.constant 0 : index
    %get3A_6 = vector.load %arg3[%get3A_4, %get3A_5] : memref<1024x128xf32, #tpu.memory_space<vmem>>, vector<1024x64xf32>
    %sub3A = arith.subf %get3A_6, %get3A_3 : vector<1024x64xf32>
    %add3A = arith.addf %get3A_3, %sub3A : vector<1024x64xf32>
    %sub3A_7 = arith.subf %get3A_3, %get3A_6 : vector<1024x64xf32>
    %mul3A = arith.mulf %sub3A_7, %sub3A_7 : vector<1024x64xf32>
    %get3A_8 = arith.constant 0 : index
    %get3A_9 = arith.constant 0 : index
    %get3A_10 = vector.load %arg5[%get3A_8, %get3A_9] : memref<1x1xf32, #tpu.memory_space<vmem>>, vector<1x1xf32>
    %mul3A_11 = arith.constant 2.500000e-01 : f32
    %mul3A_12 = vector.broadcast %mul3A_11 : f32 to vector<1024x64xf32>
    %mul3A_13 = arith.mulf %mul3A_12, %mul3A : vector<1024x64xf32>
    %add3A_14 = arith.addf %mul3A, %mul3A_13 : vector<1024x64xf32>
    %reduce_sum3A = arith.constant dense<0.000000e+00> : vector<1024xf32>
    %reduce_sum3A_15 = vector.multi_reduction <add>, %add3A_14, %reduce_sum3A [1] : vector<1024x64xf32> to vector<1024xf32>
    %div3A = arith.constant 6.400000e+01 : f32
    %div3A_16 = vector.broadcast %div3A : f32 to vector<1024xf32>
    %div3A_17 = arith.divf %reduce_sum3A_15, %div3A_16 : vector<1024xf32>
    %reduce_sum3A_18 = vector.shape_cast %div3A_17 : vector<1024xf32> to vector<1x1024xf32>
    %reduce_sum3A_19 = arith.constant dense<0.000000e+00> : vector<1xf32>
    %reduce_sum3A_20 = vector.multi_reduction <add>, %reduce_sum3A_18, %reduce_sum3A_19 [1] : vector<1x1024xf32> to vector<1xf32>
    %reduce_sum3A_21 = vector.shape_cast %reduce_sum3A_20 : vector<1xf32> to vector<1x1xf32>
    %reduce_sum3A_22 = vector.extract %reduce_sum3A_21[0, 0] : f32 from vector<1x1xf32>
    %reshape3A = vector.broadcast %reduce_sum3A_22 : f32 to vector<1x1xf32>
    %add3A_23 = arith.addf %get3A_10, %reshape3A : vector<1x1xf32>
    %swap3A = arith.constant 0 : index
    %swap3A_24 = arith.constant 0 : index
    %swap3A_25 = vector.load %arg5[%swap3A, %swap3A_24] : memref<1x1xf32, #tpu.memory_space<vmem>>, vector<1x1xf32>
    tpu.vector_store %arg5[%swap3A, %swap3A_24], %add3A_23 {strides = array<i32>} : memref<1x1xf32, #tpu.memory_space<vmem>>, vector<1x1xf32>,
    %get3A_26 = arith.constant 0 : index
    %get3A_27 = arith.constant 0 : index
    %get3A_28 = vector.load %arg1[%get3A_26, %get3A_27] : memref<1024x64xf32, #tpu.memory_space<vmem>>, vector<1024x64xf32>
    %sub3A_29 = arith.subf %get3A_3, %add3A : vector<1024x64xf32>
    %sub3A_30 = arith.subf %get3A_28, %sub3A_29 : vector<1024x64xf32>
    %swap3A_31 = arith.constant 0 : index
    %swap3A_32 = arith.constant 0 : index
    %swap3A_33 = vector.load %arg4[%swap3A_31, %swap3A_32] : memref<1024x64xf32, #tpu.memory_space<vmem>>, vector<1024x64xf32>
    tpu.vector_store %arg4[%swap3A_31, %swap3A_32], %sub3A_30 {strides = array<i32>} : memref<1024x64xf32, #tpu.memory_space<vmem>>, vector<1024x64xf32>,
    return
  }
  func.func @transform_0(%arg0: i32) -> (i32, i32) {
    %c0_i32 = arith.constant 0 : i32
    %c0_i32_0 = arith.constant 0 : i32
    return %arg0, %c0_i32 : i32, i32
  }
  func.func @transform_1(%arg0: i32) -> (i32, i32) {
    %c0_i32 = arith.constant 0 : i32
    %c0_i32_0 = arith.constant 0 : i32
    return %arg0, %c0_i32 : i32, i32
  }
  func.func @transform_2(%arg0: i32) -> (i32, i32) {
    %c0_i32 = arith.constant 0 : i32
    %c0_i32_0 = arith.constant 0 : i32
    return %arg0, %c0_i32 : i32, i32
  }
  func.func @transform_3(%arg0: i32) -> (i32, i32) {
    %c0_i32 = arith.constant 0 : i32
    %c0_i32_0 = arith.constant 0 : i32
    return %arg0, %c0_i32 : i32, i32
  }
  func.func @transform_4(%arg0: i32) -> (i32, i32) {
    %c0_i32 = arith.constant 0 : i32
    %c0_i32_0 = arith.constant 0 : i32
    %c0_i32_1 = arith.constant 0 : i32
    return %c0_i32, %c0_i32_0 : i32, i32
  }
}

</mosaic_0001>

<sc_bundles>
// kernel: kernel.11.cloned.1.call-start
scs
__scs_entry_jumppad:
0x0: {  	(pc) =	sbr.rel $0x88, $3  }
0x1: {  	(tag) =	ssettag $0x0;
	lr =	simm.s32 $0x1  }
0x2: {  	[smem:$0x3F9F] =	sst lr;
	_ =	strace $0xD0000000  }
0x3: {  	_ = 	snop  }
0x4: {  	_ = 	snop  }
0x5: {  	_ = 	snop  }
0x6: {  	_ = 	snop  }
0x7: {  	_ = 	snop  }
__scs_overlays_trampoline_lowered:
0x8: {  	[smem:$0x3FAE] =	sst s0  }
0x9: {  	[smem:$0x3FAF] =	sst s1  }
0xa: {  	[smem:$0x3FB0] =	sst s2  }
0xb: {  	[smem:$0x3FB1] =	sst s3  }
0xc: {  	[smem:$0x3FB2] =	sst s4  }
0xd: {  	[smem:$0x3FB3] =	sst s5  }
0xe: {  	[smem:$0x3FB4] =	sst s6  }
0xf: {  	[smem:$0x3FB5] =	sst s7  }
0x10: {  	[smem:$0x3FB6] =	sst s8  }
0x11: {  	[smem:$0x3FB7] =	sst s9;
	s0 =	simm.s32 @!p0 $0x0  }
0x12: {  	s1 =	sld [smem:$0x3F9D];
	s0 =	simm.s32 @p0 $0x1  }
0x13: {  	[smem:$0x3FB8] =	sst s0;
	s0 =	simm.s32 @!p1 $0x0  }
0x14: {  	s2 =	sld [smem:$0x3F9C];
	s0 =	simm.s32 @p1 $0x1  }
0x15: {  	[smem:$0x3FB9] =	sst s0;
	s0 =	simm.s32 @!p2 $0x0  }
0x16: {  	s3 =	sld [smem:$0x3FDB];
	s0 =	simm.s32 @p2 $0x1  }
0x17: {  	s4 =	simm.s32 $0x1BF5;
	[smem:$0x3FBB] =	sst s0  }
0x18: {  	s0 =	sld [smem:$0x3F9E];
	_ =	swait.ge [sflag:s4], $0x0  }
0x19: {  	s7 =	sld [smem:$0x3F9F]  }
0x1a: {  	s8 =	sadd.s32 $0xFFFFE003, lr  }
0x1b: {  	s9 =	sadd.s32 $0xFFFFFEF7, lr;
	s5 =	simm.s32 $0xFFFFFFFF;
	p2 =	slt.u32 s8, $0xFFFFF086  }
0x1c: {  	p1 =	slt.u32 s9, $0xF7A;
	s5 =	simm.s32 @!p2 $0x0  }
0x1d: {  	s5 =	simm.s32 @p1 $0x1;
	p0 =	seq.s32 s7, s2  }
0x1e: {  	s7 =	smul.u32 @!p0 $0xF7A, s2;
	p2 =	seq.s32 @!p0 s5, $0x0  }
0x1f: {  	s9 =	smul.u32 $0xF7A, s1;
	s8 =	simm.s32 @!p0 $0x1BF5;
	p2 =	por !p2, p0  }
0x20: {  	[sflag:s8] =	ssyncset.s32 @!p0 $0xFFFFF086;
	s6 =	sadd.s32 @!p0 s3, s7;
	s7 =	simm.s32 @!p0 $0x108  }
0x21: {  	s3 =	sadd.s32 s3, s9;
	s6 =	sadd.s32 @!p0 $0x88, s6;
	s7 =	simm.s32 @p2 $0x1082  }
0x22: {  	[simem:s7], [sflag:s8] =	dma.local @!p0 [hbm:s6], $0xF7A  }
0x23: {  	s9 =	sor.u32 $0xD0000000, s2;
	s6 =	simm.s32 $0x108;
	_ =	swait.ge @!p0 [sflag:s8], $0x0  }
0x24: {  	s3 =	sadd.s32 $0x88, s3;
	s6 =	simm.s32 @!p1 $0x1082;
	[sflag:s4] =	ssyncset.s32 $0xFFFFF086  }
0x25: {  	[simem:s6], [sflag:s4] =	dma.local [hbm:s3], $0xF7A  }
0x26: {  	[smem:$0x3F9F] =	sst s1;
	(tag) =	ssettag s2;
	_ =	strace s9  }
0x27: {  	s1 =	sld [smem:$0x3FAF]  }
0x28: {  	s2 =	sld [smem:$0x3FB0]  }
0x29: {  	s4 =	sld [smem:$0x3FB2]  }
0x2a: {  	p0 =	seq.s32 s5, $0x0;
	s5 =	sld [smem:$0x3FB3]  }
0x2b: {  	s6 =	sld [smem:$0x3FB4]  }
0x2c: {  	s7 =	sld [smem:$0x3FB5]  }
0x2d: {  	s3 =	simm.s32 $0x108;
	s8 =	sld [smem:$0x3FB6]  }
0x2e: {  	s3 =	simm.s32 @!p0 $0x1082;
	s9 =	sld [smem:$0x3FB7]  }
0x2f: {  	lr =	sadd.s32 s0, s3;
	s0 =	sld [smem:$0x3FAE]  }
0x30: {  	s3 =	sld [smem:$0x3FB1]  }
0x31: {  	[smem:$0x3FBA] =	sst s10  }
0x32: {  	s10 =	sld [smem:$0x3FB8];
	_ =	sdelay $0x3  }
0x33: {  	p0 =	seq.s32 s10, $0x1;
	s10 =	sld [smem:$0x3FBA];
	_ =	sdelay $0x3  }
0x34: {  	[smem:$0x3FBA] =	sst s10  }
0x35: {  	s10 =	sld [smem:$0x3FB9];
	_ =	sdelay $0x3  }
0x36: {  	p1 =	seq.s32 s10, $0x1;
	s10 =	sld [smem:$0x3FBA];
	_ =	sdelay $0x3  }
0x37: {  	[smem:$0x3FBA] =	sst s10  }
0x38: {  	s10 =	sld [smem:$0x3FBB]  }
0x39: {  	_ = 	snop;
	(pc) =	sbr.ind lr, $3  }
0x3a: {  	_ = 	snop  }
0x3b: {  	_ = 	snop  }
0x3c: {  	p2 =	seq.s32 s10, $0x1;
	s10 =	sld [smem:$0x3FBA]  }
0x3d: {  	_ =	shalt  }
0x3e: {  	_ =	shalt  }
0x3f: {  	_ =	shalt  }
0x40: {  	_ =	shalt  }
0x41: {  	_ =	shalt  }
0x42: {  	_ =	shalt  }
0x43: {  	_ =	shalt  }
0x44: {  	_ =	shalt  }
0x45: {  	_ =	shalt  }
0x46: {  	_ =	shalt  }
0x47: {  	_ =	shalt  }
0x48: {  	_ =	shalt  }
0x49: {  	_ =	shalt  }
0x4a: {  	_ =	shalt  }
0x4b: {  	_ =	shalt  }
0x4c: {  	_ =	shalt  }
0x4d: {  	_ =	shalt  }
0x4e: {  	_ =	shalt  }
0x4f: {  	_ =	shalt  }
0x50: {  	_ =	shalt  }
0x51: {  	_ =	shalt  }
0x52: {  	_ =	shalt  }
0x53: {  	_ =	shalt  }
0x54: {  	_ =	shalt  }
0x55: {  	_ =	shalt  }
0x56: {  	_ =	shalt  }
0x57: {  	_ =	shalt  }
0x58: {  	_ =	shalt  }
0x59: {  	_ =	shalt  }
0x5a: {  	_ =	shalt  }
0x5b: {  	_ =	shalt  }
0x5c: {  	_ =	shalt  }
0x5d: {  	_ =	shalt  }
0x5e: {  	_ =	shalt  }
0x5f: {  	_ =	shalt  }
0x60: {  	_ =	shalt  }
0x61: {  	_ =	shalt  }
0x62: {  	_ =	shalt  }
0x63: {  	_ =	shalt  }
0x64: {  	_ =	shalt  }
0x65: {  	_ =	shalt  }
0x66: {  	_ =	shalt  }
0x67: {  	_ =	shalt  }
0x68: {  	_ =	shalt  }
0x69: {  	_ =	shalt  }
0x6a: {  	_ =	shalt  }
0x6b: {  	_ =	shalt  }
0x6c: {  	_ =	shalt  }
0x6d: {  	_ =	shalt  }
0x6e: {  	_ =	shalt  }
0x6f: {  	_ =	shalt  }
0x70: {  	_ =	shalt  }
0x71: {  	_ =	shalt  }
0x72: {  	_ =	shalt  }
0x73: {  	_ =	shalt  }
0x74: {  	_ =	shalt  }
0x75: {  	_ =	shalt  }
0x76: {  	_ =	shalt  }
0x77: {  	_ =	shalt  }
0x78: {  	_ =	shalt  }
0x79: {  	_ =	shalt  }
0x7a: {  	_ =	shalt  }
0x7b: {  	_ =	shalt  }
0x7c: {  	_ =	shalt  }
0x7d: {  	_ =	shalt  }
0x7e: {  	_ =	shalt  }
0x7f: {  	_ =	shalt  }
0x80: {  	_ =	shalt  }
0x81: {  	_ =	shalt  }
0x82: {  	_ =	shalt  }
0x83: {  	_ =	shalt  }
0x84: {  	_ =	shalt  }
0x85: {  	_ =	shalt  }
0x86: {  	_ =	shalt  }
0x87: {  	_ =	shalt  }
.Lfunc_end0:
.L_simem_size_0:
called_computation_lowered:
.L_overlay_start_0:
0x88: {  	s2 =	sld [smem:$0x3FD9]  }
0x89: {  	s3 =	sld [smem:$0x3FFE];
	_ =	sdelay $0x1  }
0x8a: {  	s1 =	srdreg.scid  }
0x8b: {  	s0 =	sand.u32 $0x1, s1  }
0x8c: {  	s14 =	sshll.u32 s0, $0xA;
	s2 =	sadd.s32 s3, s2  }
0x8d: {  	s2 =	sadd.s32 s2, s14  }
0x8e: {  	[smem:$0x3FC6] =	sst s2  }
0x8f: {  	_ = 	snop  }
0x90: {  	s2 =	sld [smem:$0x3FD0];
	_ =	sdelay $0x2  }
0x91: {  	s15 =	simm.s32 $0xA;
	s4 =	simm.s32 $0x10  }
0x92: {  	[smem:s4], [sflag:s15] =	dma.local [hbm:s2], $0x1  }
0x93: {  	_ =	swait.eq [sflag:s15], $0x1  }
0x94: {  	[sflag:s15] =	ssyncset.done $0x0  }
0x95: {  	[sflag:s15] =	ssyncadd.s32 $0xFFFFFFFF  }
0x96: {  	s16 =	sld [smem:$0x11];
	(tm) =	ssettm $0x1  }
0x97: {  	s17 =	sld [smem:$0x3FFB];
	_ =	sdelay $0x3  }
0x98: {  	_ =	strace s17  }
0x99: {  	s3 =	sld [smem:$0x3FFC];
	_ =	sdelay $0x3  }
0x9a: {  	_ =	strace s3  }
0x9b: {  	s3 =	sld [smem:$0x3FFD];
	_ =	sdelay $0x3  }
0x9c: {  	_ =	strace s3  }
0x9d: {  	_ =	strace $0x8FFFFFFF  }
0x9e: {  	s18 =	sld [smem:$0x3FDB];
	_ =	sdelay $0x1  }
0x9f: {  	s19 =	simm.s32 $_scs_section_size  }
0xa0: {  	s5 =	simm.s32 $_size__tile_overlayer_lowered;
	s6 =	simm.s32 $_tile_overlayer_lowered  }
0xa1: {  	s22 =	simm.s32 $0x1BFF;
	s21 =	sshll.u32 s6, $0x1;
	s3 =	sadd.s32 s19, s18  }
0xa2: {  	s7 =	simm.s32 $0x0;
	s20 =	sshll.u32 s5, $0x1;
	s5 =	sadd.s32 s21, s3  }
0xa3: {  	[timem:s7], [sflag:s22] =	dma.local [hbm:s5], s20  }
0xa4: {  	_ =	swait.ge [sflag:s22], s20  }
0xa5: {  	s4 =	ssub.s32 $0x0, s20;
	[sflag:s22] =	ssyncset.done $0x0  }
0xa6: {  	[sflag:s22] =	ssyncadd.s32 s4;
	_ =	sdelay $0x1  }
0xa7: {  	s23 =	simm.s32 $0x1B8B  }
0xa8: {  	_ =	swait.ge [sflag:s23], $0x1  }
0xa9: {  	[sflag:s23] =	ssyncset.done $0x0  }
0xaa: {  	s25 =	simm.s32 $0x1B8E;
	s24 =	sld [smem:$0x3FFE];
	[sflag:s23] =	ssyncadd.s32 $0xFFFFFFFF  }
0xab: {  	s26 =	simm.s32 $execute0_lowered;
	[smem:$0x3FD2] =	sst s25  }
0xac: {  	s5 =	sshll.u32 s26, $0x1;
	_ =	strace $0x80000046;
	[dreg:$0x1] =	wrdreg $0xFFFFFFFF  }
0xad: {  	s28 =	simm.s32 $_size_execute0_lowered;
	s3 =	sadd.s32 s3, s5;
	[dreg:$0x0] =	wrdreg $0x0  }
0xae: {  	s5 =	sshll.u32 s28, $0x1;
	[dreg:$0x2] =	wrdreg s3  }
0xaf: {  	[dreg:$0x3] =	wrdreg s5  }
0xb0: {  	[dreg:$0x4] =	wrdreg $0xC0  }
0xb1: {  	_ =	task [dreg:s7], $0x5FFFF  }
0xb2: {  	[dreg:$0x1] =	wrdreg $0xFFFFFFFF  }
0xb3: {  	[dreg:$0x0] =	wrdreg $0x60  }
0xb4: {  	[dreg:$0x2] =	wrdreg s24  }
0xb5: {  	[dreg:$0x3] =	wrdreg s16  }
0xb6: {  	[dreg:$0x4] =	wrdreg $0x9  }
0xb7: {  	_ =	task.clear_ibuf [dreg:s7], $0x5FFFF;
	_ =	strace $0x90000046  }
0xb8: {  	s29 =	simm.s32 $0x9;
	_ =	strace $0x80000048  }
0xb9: {  	_ =	swait.ge [sflag:s29], $0x1  }
0xba: {  	[sflag:s29] =	ssyncadd.s32 $0xFFFFFFFF  }
0xbb: {  	_ =	strace $0x90000048  }
0xbc: {  	_ =	sfence  }
0xbd: {  	s30 =	sld [smem:$0x0];
	_ =	sdelay $0x2  }
0xbe: {  	s31 =	sshll.u32 s1, $0xD;
	s1 =	sshrl.u32 s1, $0x2  }
0xbf: {  	s3 =	sand.u32 $0x4000, s31;
	s1 =	sadd.s32 s1, s30  }
0xc0: {  	s0 =	sor.u32 s3, s0;
	s1 =	sshll.u32 s1, $0x11  }
0xc1: {  	s0 =	sor.u32 s1, s0  }
0xc2: {  	s0 =	sadd.s32 $0x8F2B, s0  }
0xc3: {  	[sflag:s0] =	ssyncadd.remote.s32 $0x1  }
0xc4: {  	_ =	sfence.sel $0xFFFF  }
0xc5: {  	[dreg:$0x0] =	wrdreg $0xFFFFFFFF;
	(pc) =	sbr.abs _section_cstart, $3  }
0xc6: {  	[dreg:$0x1] =	wrdreg $0xFFFFFFFF  }
0xc7: {  	_ =	task.clear_ibuf [dreg:s7], $0x2FFFF;
	_ =	strace $0x9FFFFFFF  }
0xc8: {  	(tm) =	ssettm $0x7FFFFFFF  }
0xc9: {  	_ =	shalt  }
tec
execute0_lowered:
.L_overlay_start_1:
0x0: {  	(tag) =	ssettag $0x1  }
0x1: {  	s1 =	srdreg.scid  }
0x2: {  	s0 =	stileid.u32;
	s9 =	rddreg [dreg:$0x0]  }
0x3: {  	s3 =	rddreg [dreg:$0x1];
	s6 =	sand.u32 $0x1, s1;
	s30 =	sshll.u32 s0, $0x1  }
0x4: {  	s2 =	simm.s32 $0x0;
	s1 =	rddreg [dreg:$0x2];
	s7 =	sor.u32 s6, s30  }
0x5: {  	s8 =	simm.s32 $0x1;
	[smem:$0x7FF] =	sst s2;
	s4 =	smul.u32 $0x48, s7  }
0x6: {  	s5 =	sadd.s32 $0x3000, s9;
	_ =	strace $0x80000047;
	s11 =	ssub.s32 $0x2, s6  }
0x7: {  	s6 =	simm.s32 $0x240;
	s4 =	sadd.s32 s3, s4;
	s3 =	simm.s32 $0x2  }
0x8: {  	[tilespmem:s2], [sflag:$0x2] =	stream.linear.gather [hbm4b:s4+s2], $0x240, $0x38;
	[tilespmem:$0x12280] =	vst v63  }
0x9: {  	s10 =	smul.u32 $0x2400, s7;
	s12 =	sshrl.u32 s11, $0x1;
	_ =	swait.ge [sflag:s3], $0x240  }
0xa: {  	s7 =	simm.s32 $0x280;
	s31 =	ssub.s32 s11, s12;
	[sflag:s3] =	ssyncset.done $0x0  }
0xb: {  	s9 =	sadd.s32 s10, s9;
	s10 =	smax.u32 s31, $0x1;
	[sflag:s3] =	ssyncadd.s32 $0xFFFFFDC0  }
0xc: {  	[tilespmem:s7], [sflag:$0x1] =	stream.indirect.gather [hbm4b:s5+s6], $0x80, s2, s6, $0xb8;
	[tilespmem:$0x12280] =	vst v63  }
0xd: {  	p0 =	sne.s32 s10, $0x1;
	_ =	swait.ge [sflag:s8], $0x12000  }
.Ltmp0:
0xe: {  	[sflag:s8] =	ssyncset.done $0x0;
	(pc) =	sbr.rel @!p0 .LBB2_2-.Ltmp0, $4  }
0xf: {  	s9 =	sadd.s32 $0x9B000, s9;
	[sflag:s8] =	ssyncadd.s32 $0xFFFEE000  }
0x10: {  	[hbm4b:s9+s2] =	stream.linear.scatter [tilespmem:s7], [sflag:$0x2], $0x12000, $0x38;
	[tilespmem:$0x12280] =	vst v63  }
0x11: {  	_ =	swait.ge [sflag:s3], $0x12000  }
0x12: {  	s10 =	sadd.s32 $0xFFFFFFFF, s10;
	[sflag:s3] =	ssyncset.done $0x0  }
.LBB2_1:
0x13: {  	p0 =	sne.s32 s10, $0x1;
	s10 =	sadd.s32 $0xFFFFFFFF, s10;
	[sflag:s3] =	ssyncadd.s32 $0xFFFEE000  }
0x14: {  	[tilespmem:s2], [sflag:$0x2] =	stream.linear.gather [hbm4b:s4+s2], $0x240, $0x38;
	[tilespmem:$0x12280] =	vst v63  }
0x15: {  	_ =	swait.ge [sflag:s3], $0x240  }
0x16: {  	[sflag:s3] =	ssyncset.done $0x0  }
0x17: {  	[sflag:s3] =	ssyncadd.s32 $0xFFFFFDC0  }
0x18: {  	[tilespmem:s7], [sflag:$0x1] =	stream.indirect.gather [hbm4b:s5+s6], $0x80, s2, s6, $0xb8;
	[tilespmem:$0x12280] =	vst v63  }
0x19: {  	_ =	swait.ge [sflag:s8], $0x12000  }
.Ltmp1:
0x1a: {  	[sflag:s8] =	ssyncset.done $0x0;
	(pc) =	sbr.rel @p0 .LBB2_1-.Ltmp1, $4  }
0x1b: {  	[sflag:s8] =	ssyncadd.s32 $0xFFFEE000  }
0x1c: {  	[hbm4b:s9+s2] =	stream.linear.scatter [tilespmem:s7], [sflag:$0x2], $0x12000, $0x38;
	[tilespmem:$0x12280] =	vst v63  }
0x1d: {  	_ =	swait.ge [sflag:s3], $0x12000  }
0x1e: {  	[sflag:s3] =	ssyncset.done $0x0  }
.LBB2_2:
0x1f: {  	[sflag:s3] =	ssyncadd.s32 $0xFFFEE000  }
0x20: {  	_ =	sfence.sel $0x180000  }
0x21: {  	[bflag:$0x0] =	sbarrier.arrive $0xFFFF  }
0x22: {  	p0 =	sne.s32 s0, $0x0;
	_ =	strace $0x90000047  }
0x23: {  	s0 =	sadd.s32 @!p0 $0x100000, s1;
	[bflag:$0x2] =	sbarrier.arrive $0xFFFF  }
0x24: {  	[sflag:s0] =	ssyncadd.tile.s32 @!p0 $0x1;
	_ =	shalt  }
.Lfunc_end2:
_tile_overlayer_lowered:
.L_overlay_start_2:
0x25: {  	(tag) =	ssettag $0x2  }
0x26: {  	s0 =	rddreg [dreg:$0x0];
	s2 =	stileid.u32  }
0x27: {  	s1 =	rddreg [dreg:$0x1];
	p0 =	sne.s32 s2, $0x0  }
0x28: {  	s3 =	rddreg [dreg:$0x2];
	[bflag:$0x3] =	sbarrier.arrive $0xFFFF;
	s2 =	simm.s32 @!p0 $0x1C02  }
0x29: {  	[timem:s3], [sflag:s2] =	dma.local @!p0 [hbm:s0], s1  }
0x2a: {  	s0 =	simm.s32 @!p0 $0x2  }
0x2b: {  	_ =	swait.ge @!p0 [sflag:s0], s1  }
0x2c: {  	s1 =	ssub.s32 @!p0 $0x0, s1;
	[sflag:s0] =	ssyncset.done @!p0 $0x0  }
0x2d: {  	[sflag:s0] =	ssyncadd.s32 @!p0 s1  }
0x2e: {  	[bflag:$0x3] =	sbarrier.arrive $0xFFFF  }
0x2f: {  	_ =	shalt  }

// kernel: kernel.14.cloned.1.call-start
scs
__scs_entry_jumppad:
0x0: {  	(pc) =	sbr.rel $0x88, $3  }
0x1: {  	(tag) =	ssettag $0x0;
	lr =	simm.s32 $0x1  }
0x2: {  	[smem:$0x3F9F] =	sst lr;
	_ =	strace $0xD0000000  }
0x3: {  	_ = 	snop  }
0x4: {  	_ = 	snop  }
0x5: {  	_ = 	snop  }
0x6: {  	_ = 	snop  }
0x7: {  	_ = 	snop  }
__scs_overlays_trampoline_lowered:
0x8: {  	[smem:$0x3FAE] =	sst s0  }
0x9: {  	[smem:$0x3FAF] =	sst s1  }
0xa: {  	[smem:$0x3FB0] =	sst s2  }
0xb: {  	[smem:$0x3FB1] =	sst s3  }
0xc: {  	[smem:$0x3FB2] =	sst s4  }
0xd: {  	[smem:$0x3FB3] =	sst s5  }
0xe: {  	[smem:$0x3FB4] =	sst s6  }
0xf: {  	[smem:$0x3FB5] =	sst s7  }
0x10: {  	[smem:$0x3FB6] =	sst s8  }
0x11: {  	[smem:$0x3FB7] =	sst s9;
	s0 =	simm.s32 @!p0 $0x0  }
0x12: {  	s1 =	sld [smem:$0x3F9D];
	s0 =	simm.s32 @p0 $0x1  }
0x13: {  	[smem:$0x3FB8] =	sst s0;
	s0 =	simm.s32 @!p1 $0x0  }
0x14: {  	s2 =	sld [smem:$0x3F9C];
	s0 =	simm.s32 @p1 $0x1  }
0x15: {  	[smem:$0x3FB9] =	sst s0;
	s0 =	simm.s32 @!p2 $0x0  }
0x16: {  	s3 =	sld [smem:$0x3FDB];
	s0 =	simm.s32 @p2 $0x1  }
0x17: {  	s4 =	simm.s32 $0x1BF5;
	[smem:$0x3FBB] =	sst s0  }
0x18: {  	s0 =	sld [smem:$0x3F9E];
	_ =	swait.ge [sflag:s4], $0x0  }
0x19: {  	s7 =	sld [smem:$0x3F9F]  }
0x1a: {  	s8 =	sadd.s32 $0xFFFFE003, lr  }
0x1b: {  	s9 =	sadd.s32 $0xFFFFFEF7, lr;
	s5 =	simm.s32 $0xFFFFFFFF;
	p2 =	slt.u32 s8, $0xFFFFF086  }
0x1c: {  	p1 =	slt.u32 s9, $0xF7A;
	s5 =	simm.s32 @!p2 $0x0  }
0x1d: {  	s5 =	simm.s32 @p1 $0x1;
	p0 =	seq.s32 s7, s2  }
0x1e: {  	s7 =	smul.u32 @!p0 $0xF7A, s2;
	p2 =	seq.s32 @!p0 s5, $0x0  }
0x1f: {  	s9 =	smul.u32 $0xF7A, s1;
	s8 =	simm.s32 @!p0 $0x1BF5;
	p2 =	por !p2, p0  }
0x20: {  	[sflag:s8] =	ssyncset.s32 @!p0 $0xFFFFF086;
	s6 =	sadd.s32 @!p0 s3, s7;
	s7 =	simm.s32 @!p0 $0x108  }
0x21: {  	s3 =	sadd.s32 s3, s9;
	s6 =	sadd.s32 @!p0 $0x88, s6;
	s7 =	simm.s32 @p2 $0x1082  }
0x22: {  	[simem:s7], [sflag:s8] =	dma.local @!p0 [hbm:s6], $0xF7A  }
0x23: {  	s9 =	sor.u32 $0xD0000000, s2;
	s6 =	simm.s32 $0x108;
	_ =	swait.ge @!p0 [sflag:s8], $0x0  }
0x24: {  	s3 =	sadd.s32 $0x88, s3;
	s6 =	simm.s32 @!p1 $0x1082;
	[sflag:s4] =	ssyncset.s32 $0xFFFFF086  }
0x25: {  	[simem:s6], [sflag:s4] =	dma.local [hbm:s3], $0xF7A  }
0x26: {  	[smem:$0x3F9F] =	sst s1;
	(tag) =	ssettag s2;
	_ =	strace s9  }
0x27: {  	s1 =	sld [smem:$0x3FAF]  }
0x28: {  	s2 =	sld [smem:$0x3FB0]  }
0x29: {  	s4 =	sld [smem:$0x3FB2]  }
0x2a: {  	p0 =	seq.s32 s5, $0x0;
	s5 =	sld [smem:$0x3FB3]  }
0x2b: {  	s6 =	sld [smem:$0x3FB4]  }
0x2c: {  	s7 =	sld [smem:$0x3FB5]  }
0x2d: {  	s3 =	simm.s32 $0x108;
	s8 =	sld [smem:$0x3FB6]  }
0x2e: {  	s3 =	simm.s32 @!p0 $0x1082;
	s9 =	sld [smem:$0x3FB7]  }
0x2f: {  	lr =	sadd.s32 s0, s3;
	s0 =	sld [smem:$0x3FAE]  }
0x30: {  	s3 =	sld [smem:$0x3FB1]  }
0x31: {  	[smem:$0x3FBA] =	sst s10  }
0x32: {  	s10 =	sld [smem:$0x3FB8];
	_ =	sdelay $0x3  }
0x33: {  	p0 =	seq.s32 s10, $0x1;
	s10 =	sld [smem:$0x3FBA];
	_ =	sdelay $0x3  }
0x34: {  	[smem:$0x3FBA] =	sst s10  }
0x35: {  	s10 =	sld [smem:$0x3FB9];
	_ =	sdelay $0x3  }
0x36: {  	p1 =	seq.s32 s10, $0x1;
	s10 =	sld [smem:$0x3FBA];
	_ =	sdelay $0x3  }
0x37: {  	[smem:$0x3FBA] =	sst s10  }
0x38: {  	s10 =	sld [smem:$0x3FBB]  }
0x39: {  	_ = 	snop;
	(pc) =	sbr.ind lr, $3  }
0x3a: {  	_ = 	snop  }
0x3b: {  	_ = 	snop  }
0x3c: {  	p2 =	seq.s32 s10, $0x1;
	s10 =	sld [smem:$0x3FBA]  }
0x3d: {  	_ =	shalt  }
0x3e: {  	_ =	shalt  }
0x3f: {  	_ =	shalt  }
0x40: {  	_ =	shalt  }
0x41: {  	_ =	shalt  }
0x42: {  	_ =	shalt  }
0x43: {  	_ =	shalt  }
0x44: {  	_ =	shalt  }
0x45: {  	_ =	shalt  }
0x46: {  	_ =	shalt  }
0x47: {  	_ =	shalt  }
0x48: {  	_ =	shalt  }
0x49: {  	_ =	shalt  }
0x4a: {  	_ =	shalt  }
0x4b: {  	_ =	shalt  }
0x4c: {  	_ =	shalt  }
0x4d: {  	_ =	shalt  }
0x4e: {  	_ =	shalt  }
0x4f: {  	_ =	shalt  }
0x50: {  	_ =	shalt  }
0x51: {  	_ =	shalt  }
0x52: {  	_ =	shalt  }
0x53: {  	_ =	shalt  }
0x54: {  	_ =	shalt  }
0x55: {  	_ =	shalt  }
0x56: {  	_ =	shalt  }
0x57: {  	_ =	shalt  }
0x58: {  	_ =	shalt  }
0x59: {  	_ =	shalt  }
0x5a: {  	_ =	shalt  }
0x5b: {  	_ =	shalt  }
0x5c: {  	_ =	shalt  }
0x5d: {  	_ =	shalt  }
0x5e: {  	_ =	shalt  }
0x5f: {  	_ =	shalt  }
0x60: {  	_ =	shalt  }
0x61: {  	_ =	shalt  }
0x62: {  	_ =	shalt  }
0x63: {  	_ =	shalt  }
0x64: {  	_ =	shalt  }
0x65: {  	_ =	shalt  }
0x66: {  	_ =	shalt  }
0x67: {  	_ =	shalt  }
0x68: {  	_ =	shalt  }
0x69: {  	_ =	shalt  }
0x6a: {  	_ =	shalt  }
0x6b: {  	_ =	shalt  }
0x6c: {  	_ =	shalt  }
0x6d: {  	_ =	shalt  }
0x6e: {  	_ =	shalt  }
0x6f: {  	_ =	shalt  }
0x70: {  	_ =	shalt  }
0x71: {  	_ =	shalt  }
0x72: {  	_ =	shalt  }
0x73: {  	_ =	shalt  }
0x74: {  	_ =	shalt  }
0x75: {  	_ =	shalt  }
0x76: {  	_ =	shalt  }
0x77: {  	_ =	shalt  }
0x78: {  	_ =	shalt  }
0x79: {  	_ =	shalt  }
0x7a: {  	_ =	shalt  }
0x7b: {  	_ =	shalt  }
0x7c: {  	_ =	shalt  }
0x7d: {  	_ =	shalt  }
0x7e: {  	_ =	shalt  }
0x7f: {  	_ =	shalt  }
0x80: {  	_ =	shalt  }
0x81: {  	_ =	shalt  }
0x82: {  	_ =	shalt  }
0x83: {  	_ =	shalt  }
0x84: {  	_ =	shalt  }
0x85: {  	_ =	shalt  }
0x86: {  	_ =	shalt  }
0x87: {  	_ =	shalt  }
.Lfunc_end0:
.L_simem_size_0:
called_computation.1_lowered:
.L_overlay_start_0:
0x88: {  	s2 =	sld [smem:$0x3FD9]  }
0x89: {  	s3 =	sld [smem:$0x3FFE];
	_ =	sdelay $0x1  }
0x8a: {  	s1 =	srdreg.scid  }
0x8b: {  	s0 =	sand.u32 $0x1, s1  }
0x8c: {  	s14 =	sshll.u32 s0, $0xA;
	s2 =	sadd.s32 s3, s2  }
0x8d: {  	s2 =	sadd.s32 s2, s14  }
0x8e: {  	[smem:$0x3FC6] =	sst s2  }
0x8f: {  	_ = 	snop  }
0x90: {  	s2 =	sld [smem:$0x3FD0];
	_ =	sdelay $0x2  }
0x91: {  	s15 =	simm.s32 $0xA;
	s4 =	simm.s32 $0x10  }
0x92: {  	[smem:s4], [sflag:s15] =	dma.local [hbm:s2], $0x1  }
0x93: {  	_ =	swait.eq [sflag:s15], $0x1  }
0x94: {  	[sflag:s15] =	ssyncset.done $0x0  }
0x95: {  	s16 =	sld [smem:$0x11];
	[sflag:s15] =	ssyncadd.s32 $0xFFFFFFFF  }
0x96: {  	s17 =	sld [smem:$0x13];
	(tm) =	ssettm $0x1  }
0x97: {  	s18 =	sld [smem:$0x3FFB];
	_ =	sdelay $0x3  }
0x98: {  	_ =	strace s18  }
0x99: {  	s4 =	sld [smem:$0x3FFC];
	_ =	sdelay $0x3  }
0x9a: {  	_ =	strace s4  }
0x9b: {  	s4 =	sld [smem:$0x3FFD];
	_ =	sdelay $0x3  }
0x9c: {  	_ =	strace s4  }
0x9d: {  	_ =	strace $0x8FFFFFFF  }
0x9e: {  	s19 =	sld [smem:$0x3FDB];
	_ =	sdelay $0x1  }
0x9f: {  	s5 =	simm.s32 $_scs_section_size  }
0xa0: {  	s6 =	simm.s32 $_size__tile_overlayer_lowered;
	s7 =	simm.s32 $_tile_overlayer_lowered  }
0xa1: {  	s22 =	simm.s32 $0x1BFF;
	s21 =	sshll.u32 s7, $0x1;
	s4 =	sadd.s32 s5, s19  }
0xa2: {  	s8 =	simm.s32 $0x0;
	s20 =	sshll.u32 s6, $0x1;
	s6 =	sadd.s32 s21, s4  }
0xa3: {  	[timem:s8], [sflag:s22] =	dma.local [hbm:s6], s20  }
0xa4: {  	_ =	swait.ge [sflag:s22], s20  }
0xa5: {  	s5 =	ssub.s32 $0x0, s20;
	[sflag:s22] =	ssyncset.done $0x0  }
0xa6: {  	[sflag:s22] =	ssyncadd.s32 s5;
	_ =	sdelay $0x1  }
0xa7: {  	s23 =	simm.s32 $0x1B8B  }
0xa8: {  	_ =	swait.ge [sflag:s23], $0x1  }
0xa9: {  	[sflag:s23] =	ssyncset.done $0x0  }
0xaa: {  	s25 =	simm.s32 $0x1B8E;
	s24 =	sld [smem:$0x3FFE];
	[sflag:s23] =	ssyncadd.s32 $0xFFFFFFFF  }
0xab: {  	s26 =	simm.s32 $execute0_lowered;
	[smem:$0x3FD2] =	sst s25  }
0xac: {  	s6 =	sshll.u32 s26, $0x1;
	_ =	strace $0x80000049;
	[dreg:$0x1] =	wrdreg $0xFFFFFFFF  }
0xad: {  	s28 =	simm.s32 $_size_execute0_lowered;
	s4 =	sadd.s32 s4, s6;
	[dreg:$0x0] =	wrdreg $0x0  }
0xae: {  	s6 =	sshll.u32 s28, $0x1;
	[dreg:$0x2] =	wrdreg s4  }
0xaf: {  	[dreg:$0x3] =	wrdreg s6  }
0xb0: {  	[dreg:$0x4] =	wrdreg $0xC0  }
0xb1: {  	_ =	task [dreg:s8], $0x5FFFF  }
0xb2: {  	[dreg:$0x1] =	wrdreg $0xFFFFFFFF  }
0xb3: {  	[dreg:$0x0] =	wrdreg $0x60  }
0xb4: {  	[dreg:$0x2] =	wrdreg s17  }
0xb5: {  	[dreg:$0x3] =	wrdreg s16  }
0xb6: {  	[dreg:$0x4] =	wrdreg s24  }
0xb7: {  	[dreg:$0x5] =	wrdreg $0x9  }
0xb8: {  	_ =	task.clear_ibuf [dreg:s8], $0x6FFFF;
	_ =	strace $0x90000049  }
0xb9: {  	s29 =	simm.s32 $0x9;
	_ =	strace $0x8000004B  }
0xba: {  	_ =	swait.ge [sflag:s29], $0x1  }
0xbb: {  	[sflag:s29] =	ssyncadd.s32 $0xFFFFFFFF  }
0xbc: {  	_ =	strace $0x9000004B  }
0xbd: {  	_ =	sfence  }
0xbe: {  	s30 =	sld [smem:$0x0];
	_ =	sdelay $0x2  }
0xbf: {  	s31 =	sshll.u32 s1, $0xD;
	s1 =	sshrl.u32 s1, $0x2  }
0xc0: {  	s3 =	sand.u32 $0x4000, s31;
	s1 =	sadd.s32 s1, s30  }
0xc1: {  	s0 =	sor.u32 s3, s0;
	s1 =	sshll.u32 s1, $0x11  }
0xc2: {  	s0 =	sor.u32 s1, s0  }
0xc3: {  	s0 =	sadd.s32 $0x8F2B, s0  }
0xc4: {  	[sflag:s0] =	ssyncadd.remote.s32 $0x1  }
0xc5: {  	_ =	sfence.sel $0xFFFF  }
0xc6: {  	[dreg:$0x0] =	wrdreg $0xFFFFFFFF;
	(pc) =	sbr.abs _section_cstart, $3  }
0xc7: {  	[dreg:$0x1] =	wrdreg $0xFFFFFFFF  }
0xc8: {  	_ =	task.clear_ibuf [dreg:s8], $0x2FFFF;
	_ =	strace $0x9FFFFFFF  }
0xc9: {  	(tm) =	ssettm $0x7FFFFFFF  }
tec
execute0_lowered:
.L_overlay_start_1:
0x0: {  	(tag) =	ssettag $0x1  }
0x1: {  	s1 =	rddreg [dreg:$0x0]  }
0x2: {  	s2 =	srdreg.scid;
	s0 =	stileid.u32  }
0x3: {  	s4 =	rddreg [dreg:$0x1];
	s6 =	sand.u32 $0x1, s2;
	s30 =	sshll.u32 s0, $0x1  }
0x4: {  	s9 =	rddreg [dreg:$0x2];
	s3 =	simm.s32 $0x0;
	s7 =	sor.u32 s6, s30  }
0x5: {  	s8 =	simm.s32 $0x1;
	[smem:$0x7FF] =	sst s3;
	s5 =	smul.u32 $0x48, s7  }
0x6: {  	s2 =	rddreg [dreg:$0x3];
	_ =	strace $0x8000004A;
	s11 =	ssub.s32 $0x2, s6  }
0x7: {  	s6 =	simm.s32 $0x240;
	s5 =	sadd.s32 s4, s5;
	s4 =	simm.s32 $0x2  }
0x8: {  	[tilespmem:s3], [sflag:$0x2] =	stream.linear.gather [hbm4b:s5+s3], $0x240, $0x38;
	[tilespmem:$0x12280] =	vst v63  }
0x9: {  	s10 =	smul.u32 $0x2400, s7;
	s12 =	sshrl.u32 s11, $0x1;
	_ =	swait.ge [sflag:s4], $0x240  }
0xa: {  	s7 =	simm.s32 $0x280;
	s31 =	ssub.s32 s11, s12;
	[sflag:s4] =	ssyncset.done $0x0  }
0xb: {  	s9 =	sadd.s32 s10, s9;
	s10 =	smax.u32 s31, $0x1;
	[sflag:s4] =	ssyncadd.s32 $0xFFFFFDC0  }
0xc: {  	[tilespmem:s7], [sflag:$0x1] =	stream.indirect.gather [hbm4b:s1+s6], $0x80, s3, s6, $0xb8;
	[tilespmem:$0x12280] =	vst v63  }
0xd: {  	p0 =	sne.s32 s10, $0x1;
	_ =	swait.ge [sflag:s8], $0x12000  }
.Ltmp0:
0xe: {  	[sflag:s8] =	ssyncset.done $0x0;
	(pc) =	sbr.rel @!p0 .LBB2_2-.Ltmp0, $4  }
0xf: {  	s9 =	sadd.s32 $0xE3000, s9;
	[sflag:s8] =	ssyncadd.s32 $0xFFFEE000  }
0x10: {  	[hbm4b:s9+s3] =	stream.linear.scatter [tilespmem:s7], [sflag:$0x2], $0x12000, $0x38;
	[tilespmem:$0x12280] =	vst v63  }
0x11: {  	_ =	swait.ge [sflag:s4], $0x12000  }
0x12: {  	s10 =	sadd.s32 $0xFFFFFFFF, s10;
	[sflag:s4] =	ssyncset.done $0x0  }
.LBB2_1:
0x13: {  	p0 =	sne.s32 s10, $0x1;
	s10 =	sadd.s32 $0xFFFFFFFF, s10;
	[sflag:s4] =	ssyncadd.s32 $0xFFFEE000  }
0x14: {  	[tilespmem:s3], [sflag:$0x2] =	stream.linear.gather [hbm4b:s5+s3], $0x240, $0x38;
	[tilespmem:$0x12280] =	vst v63  }
0x15: {  	_ =	swait.ge [sflag:s4], $0x240  }
0x16: {  	[sflag:s4] =	ssyncset.done $0x0  }
0x17: {  	[sflag:s4] =	ssyncadd.s32 $0xFFFFFDC0  }
0x18: {  	[tilespmem:s7], [sflag:$0x1] =	stream.indirect.gather [hbm4b:s1+s6], $0x80, s3, s6, $0xb8;
	[tilespmem:$0x12280] =	vst v63  }
0x19: {  	_ =	swait.ge [sflag:s8], $0x12000  }
.Ltmp1:
0x1a: {  	[sflag:s8] =	ssyncset.done $0x0;
	(pc) =	sbr.rel @p0 .LBB2_1-.Ltmp1, $4  }
0x1b: {  	[sflag:s8] =	ssyncadd.s32 $0xFFFEE000  }
0x1c: {  	[hbm4b:s9+s3] =	stream.linear.scatter [tilespmem:s7], [sflag:$0x2], $0x12000, $0x38;
	[tilespmem:$0x12280] =	vst v63  }
0x1d: {  	_ =	swait.ge [sflag:s4], $0x12000  }
0x1e: {  	[sflag:s4] =	ssyncset.done $0x0  }
.LBB2_2:
0x1f: {  	[sflag:s4] =	ssyncadd.s32 $0xFFFEE000  }
0x20: {  	_ =	sfence.sel $0x180000  }
0x21: {  	[bflag:$0x0] =	sbarrier.arrive $0xFFFF  }
0x22: {  	p0 =	sne.s32 s0, $0x0;
	_ =	strace $0x9000004A  }
0x23: {  	s0 =	sadd.s32 @!p0 $0x100000, s2;
	[bflag:$0x2] =	sbarrier.arrive $0xFFFF  }
0x24: {  	[sflag:s0] =	ssyncadd.tile.s32 @!p0 $0x1;
	_ =	shalt  }
.Lfunc_end2:
_tile_overlayer_lowered:
.L_overlay_start_2:
0x25: {  	(tag) =	ssettag $0x2  }
0x26: {  	s0 =	rddreg [dreg:$0x0];
	s2 =	stileid.u32  }
0x27: {  	s1 =	rddreg [dreg:$0x1];
	p0 =	sne.s32 s2, $0x0  }
0x28: {  	s3 =	rddreg [dreg:$0x2];
	[bflag:$0x3] =	sbarrier.arrive $0xFFFF;
	s2 =	simm.s32 @!p0 $0x1C02  }
0x29: {  	[timem:s3], [sflag:s2] =	dma.local @!p0 [hbm:s0], s1  }
0x2a: {  	s0 =	simm.s32 @!p0 $0x2  }
0x2b: {  	_ =	swait.ge @!p0 [sflag:s0], s1  }
0x2c: {  	s1 =	ssub.s32 @!p0 $0x0, s1;
	[sflag:s0] =	ssyncset.done @!p0 $0x0  }
0x2d: {  	[sflag:s0] =	ssyncadd.s32 @!p0 s1  }
0x2e: {  	[bflag:$0x3] =	sbarrier.arrive $0xFFFF  }
0x2f: {  	_ =	shalt  }

// kernel: kernel.17.cloned.1.call-start
scs
__scs_entry_jumppad:
0x0: {  	(pc) =	sbr.rel $0x88, $3  }
0x1: {  	(tag) =	ssettag $0x0;
	lr =	simm.s32 $0x1  }
0x2: {  	[smem:$0x3F9F] =	sst lr;
	_ =	strace $0xD0000000  }
0x3: {  	_ = 	snop  }
0x4: {  	_ = 	snop  }
0x5: {  	_ = 	snop  }
0x6: {  	_ = 	snop  }
0x7: {  	_ = 	snop  }
__scs_overlays_trampoline_lowered:
0x8: {  	[smem:$0x3FAE] =	sst s0  }
0x9: {  	[smem:$0x3FAF] =	sst s1  }
0xa: {  	[smem:$0x3FB0] =	sst s2  }
0xb: {  	[smem:$0x3FB1] =	sst s3  }
0xc: {  	[smem:$0x3FB2] =	sst s4  }
0xd: {  	[smem:$0x3FB3] =	sst s5  }
0xe: {  	[smem:$0x3FB4] =	sst s6  }
0xf: {  	[smem:$0x3FB5] =	sst s7  }
0x10: {  	[smem:$0x3FB6] =	sst s8  }
0x11: {  	[smem:$0x3FB7] =	sst s9;
	s0 =	simm.s32 @!p0 $0x0  }
0x12: {  	s1 =	sld [smem:$0x3F9D];
	s0 =	simm.s32 @p0 $0x1  }
0x13: {  	[smem:$0x3FB8] =	sst s0;
	s0 =	simm.s32 @!p1 $0x0  }
0x14: {  	s2 =	sld [smem:$0x3F9C];
	s0 =	simm.s32 @p1 $0x1  }
0x15: {  	[smem:$0x3FB9] =	sst s0;
	s0 =	simm.s32 @!p2 $0x0  }
0x16: {  	s3 =	sld [smem:$0x3FDB];
	s0 =	simm.s32 @p2 $0x1  }
0x17: {  	s4 =	simm.s32 $0x1BF5;
	[smem:$0x3FBB] =	sst s0  }
0x18: {  	s0 =	sld [smem:$0x3F9E];
	_ =	swait.ge [sflag:s4], $0x0  }
0x19: {  	s7 =	sld [smem:$0x3F9F]  }
0x1a: {  	s8 =	sadd.s32 $0xFFFFE003, lr  }
0x1b: {  	s9 =	sadd.s32 $0xFFFFFEF7, lr;
	s5 =	simm.s32 $0xFFFFFFFF;
	p2 =	slt.u32 s8, $0xFFFFF086  }
0x1c: {  	p1 =	slt.u32 s9, $0xF7A;
	s5 =	simm.s32 @!p2 $0x0  }
0x1d: {  	s5 =	simm.s32 @p1 $0x1;
	p0 =	seq.s32 s7, s2  }
0x1e: {  	s7 =	smul.u32 @!p0 $0xF7A, s2;
	p2 =	seq.s32 @!p0 s5, $0x0  }
0x1f: {  	s9 =	smul.u32 $0xF7A, s1;
	s8 =	simm.s32 @!p0 $0x1BF5;
	p2 =	por !p2, p0  }
0x20: {  	[sflag:s8] =	ssyncset.s32 @!p0 $0xFFFFF086;
	s6 =	sadd.s32 @!p0 s3, s7;
	s7 =	simm.s32 @!p0 $0x108  }
0x21: {  	s3 =	sadd.s32 s3, s9;
	s6 =	sadd.s32 @!p0 $0x88, s6;
	s7 =	simm.s32 @p2 $0x1082  }
0x22: {  	[simem:s7], [sflag:s8] =	dma.local @!p0 [hbm:s6], $0xF7A  }
0x23: {  	s9 =	sor.u32 $0xD0000000, s2;
	s6 =	simm.s32 $0x108;
	_ =	swait.ge @!p0 [sflag:s8], $0x0  }
0x24: {  	s3 =	sadd.s32 $0x88, s3;
	s6 =	simm.s32 @!p1 $0x1082;
	[sflag:s4] =	ssyncset.s32 $0xFFFFF086  }
0x25: {  	[simem:s6], [sflag:s4] =	dma.local [hbm:s3], $0xF7A  }
0x26: {  	[smem:$0x3F9F] =	sst s1;
	(tag) =	ssettag s2;
	_ =	strace s9  }
0x27: {  	s1 =	sld [smem:$0x3FAF]  }
0x28: {  	s2 =	sld [smem:$0x3FB0]  }
0x29: {  	s4 =	sld [smem:$0x3FB2]  }
0x2a: {  	p0 =	seq.s32 s5, $0x0;
	s5 =	sld [smem:$0x3FB3]  }
0x2b: {  	s6 =	sld [smem:$0x3FB4]  }
0x2c: {  	s7 =	sld [smem:$0x3FB5]  }
0x2d: {  	s3 =	simm.s32 $0x108;
	s8 =	sld [smem:$0x3FB6]  }
0x2e: {  	s3 =	simm.s32 @!p0 $0x1082;
	s9 =	sld [smem:$0x3FB7]  }
0x2f: {  	lr =	sadd.s32 s0, s3;
	s0 =	sld [smem:$0x3FAE]  }
0x30: {  	s3 =	sld [smem:$0x3FB1]  }
0x31: {  	[smem:$0x3FBA] =	sst s10  }
0x32: {  	s10 =	sld [smem:$0x3FB8];
	_ =	sdelay $0x3  }
0x33: {  	p0 =	seq.s32 s10, $0x1;
	s10 =	sld [smem:$0x3FBA];
	_ =	sdelay $0x3  }
0x34: {  	[smem:$0x3FBA] =	sst s10  }
0x35: {  	s10 =	sld [smem:$0x3FB9];
	_ =	sdelay $0x3  }
0x36: {  	p1 =	seq.s32 s10, $0x1;
	s10 =	sld [smem:$0x3FBA];
	_ =	sdelay $0x3  }
0x37: {  	[smem:$0x3FBA] =	sst s10  }
0x38: {  	s10 =	sld [smem:$0x3FBB]  }
0x39: {  	_ = 	snop;
	(pc) =	sbr.ind lr, $3  }
0x3a: {  	_ = 	snop  }
0x3b: {  	_ = 	snop  }
0x3c: {  	p2 =	seq.s32 s10, $0x1;
	s10 =	sld [smem:$0x3FBA]  }
0x3d: {  	_ =	shalt  }
0x3e: {  	_ =	shalt  }
0x3f: {  	_ =	shalt  }
0x40: {  	_ =	shalt  }
0x41: {  	_ =	shalt  }
0x42: {  	_ =	shalt  }
0x43: {  	_ =	shalt  }
0x44: {  	_ =	shalt  }
0x45: {  	_ =	shalt  }
0x46: {  	_ =	shalt  }
0x47: {  	_ =	shalt  }
0x48: {  	_ =	shalt  }
0x49: {  	_ =	shalt  }
0x4a: {  	_ =	shalt  }
0x4b: {  	_ =	shalt  }
0x4c: {  	_ =	shalt  }
0x4d: {  	_ =	shalt  }
0x4e: {  	_ =	shalt  }
0x4f: {  	_ =	shalt  }
0x50: {  	_ =	shalt  }
0x51: {  	_ =	shalt  }
0x52: {  	_ =	shalt  }
0x53: {  	_ =	shalt  }
0x54: {  	_ =	shalt  }
0x55: {  	_ =	shalt  }
0x56: {  	_ =	shalt  }
0x57: {  	_ =	shalt  }
0x58: {  	_ =	shalt  }
0x59: {  	_ =	shalt  }
0x5a: {  	_ =	shalt  }
0x5b: {  	_ =	shalt  }
0x5c: {  	_ =	shalt  }
0x5d: {  	_ =	shalt  }
0x5e: {  	_ =	shalt  }
0x5f: {  	_ =	shalt  }
0x60: {  	_ =	shalt  }
0x61: {  	_ =	shalt  }
0x62: {  	_ =	shalt  }
0x63: {  	_ =	shalt  }
0x64: {  	_ =	shalt  }
0x65: {  	_ =	shalt  }
0x66: {  	_ =	shalt  }
0x67: {  	_ =	shalt  }
0x68: {  	_ =	shalt  }
0x69: {  	_ =	shalt  }
0x6a: {  	_ =	shalt  }
0x6b: {  	_ =	shalt  }
0x6c: {  	_ =	shalt  }
0x6d: {  	_ =	shalt  }
0x6e: {  	_ =	shalt  }
0x6f: {  	_ =	shalt  }
0x70: {  	_ =	shalt  }
0x71: {  	_ =	shalt  }
0x72: {  	_ =	shalt  }
0x73: {  	_ =	shalt  }
0x74: {  	_ =	shalt  }
0x75: {  	_ =	shalt  }
0x76: {  	_ =	shalt  }
0x77: {  	_ =	shalt  }
0x78: {  	_ =	shalt  }
0x79: {  	_ =	shalt  }
0x7a: {  	_ =	shalt  }
0x7b: {  	_ =	shalt  }
0x7c: {  	_ =	shalt  }
0x7d: {  	_ =	shalt  }
0x7e: {  	_ =	shalt  }
0x7f: {  	_ =	shalt  }
0x80: {  	_ =	shalt  }
0x81: {  	_ =	shalt  }
0x82: {  	_ =	shalt  }
0x83: {  	_ =	shalt  }
0x84: {  	_ =	shalt  }
0x85: {  	_ =	shalt  }
0x86: {  	_ =	shalt  }
0x87: {  	_ =	shalt  }
.Lfunc_end0:
.L_simem_size_0:
called_computation.2_lowered:
.L_overlay_start_0:
0x88: {  	s2 =	sld [smem:$0x3FD9]  }
0x89: {  	s3 =	sld [smem:$0x3FFE];
	_ =	sdelay $0x1  }
0x8a: {  	s1 =	srdreg.scid  }
0x8b: {  	s0 =	sand.u32 $0x1, s1  }
0x8c: {  	s14 =	sshll.u32 s0, $0xA;
	s2 =	sadd.s32 s3, s2  }
0x8d: {  	s2 =	sadd.s32 s2, s14  }
0x8e: {  	[smem:$0x3FC6] =	sst s2  }
0x8f: {  	_ = 	snop  }
0x90: {  	s2 =	sld [smem:$0x3FD0];
	_ =	sdelay $0x2  }
0x91: {  	s15 =	simm.s32 $0xA;
	s4 =	simm.s32 $0x10  }
0x92: {  	[smem:s4], [sflag:s15] =	dma.local [hbm:s2], $0x1  }
0x93: {  	_ =	swait.eq [sflag:s15], $0x1  }
0x94: {  	[sflag:s15] =	ssyncset.done $0x0  }
0x95: {  	[sflag:s15] =	ssyncadd.s32 $0xFFFFFFFF  }
0x96: {  	s16 =	sld [smem:$0x11];
	(tm) =	ssettm $0x1  }
0x97: {  	s17 =	sld [smem:$0x3FFB];
	_ =	sdelay $0x3  }
0x98: {  	_ =	strace s17  }
0x99: {  	s3 =	sld [smem:$0x3FFC];
	_ =	sdelay $0x3  }
0x9a: {  	_ =	strace s3  }
0x9b: {  	s3 =	sld [smem:$0x3FFD];
	_ =	sdelay $0x3  }
0x9c: {  	_ =	strace s3  }
0x9d: {  	_ =	strace $0x8FFFFFFF  }
0x9e: {  	s18 =	sld [smem:$0x3FDB];
	_ =	sdelay $0x1  }
0x9f: {  	s19 =	simm.s32 $_scs_section_size  }
0xa0: {  	s5 =	simm.s32 $_size__tile_overlayer_lowered;
	s6 =	simm.s32 $_tile_overlayer_lowered  }
0xa1: {  	s22 =	simm.s32 $0x1BFF;
	s21 =	sshll.u32 s6, $0x1;
	s3 =	sadd.s32 s19, s18  }
0xa2: {  	s7 =	simm.s32 $0x0;
	s20 =	sshll.u32 s5, $0x1;
	s5 =	sadd.s32 s21, s3  }
0xa3: {  	[timem:s7], [sflag:s22] =	dma.local [hbm:s5], s20  }
0xa4: {  	_ =	swait.ge [sflag:s22], s20  }
0xa5: {  	s4 =	ssub.s32 $0x0, s20;
	[sflag:s22] =	ssyncset.done $0x0  }
0xa6: {  	[sflag:s22] =	ssyncadd.s32 s4;
	_ =	sdelay $0x1  }
0xa7: {  	s23 =	simm.s32 $0x1B8B  }
0xa8: {  	_ =	swait.ge [sflag:s23], $0x1  }
0xa9: {  	[sflag:s23] =	ssyncset.done $0x0  }
0xaa: {  	s25 =	simm.s32 $0x1B8E;
	s24 =	sld [smem:$0x3FFE];
	[sflag:s23] =	ssyncadd.s32 $0xFFFFFFFF  }
0xab: {  	s26 =	simm.s32 $execute0_lowered;
	[smem:$0x3FD2] =	sst s25  }
0xac: {  	s5 =	sshll.u32 s26, $0x1;
	_ =	strace $0x8000004C;
	[dreg:$0x1] =	wrdreg $0xFFFFFFFF  }
0xad: {  	s28 =	simm.s32 $_size_execute0_lowered;
	s3 =	sadd.s32 s3, s5;
	[dreg:$0x0] =	wrdreg $0x0  }
0xae: {  	s5 =	sshll.u32 s28, $0x1;
	[dreg:$0x2] =	wrdreg s3  }
0xaf: {  	[dreg:$0x3] =	wrdreg s5  }
0xb0: {  	[dreg:$0x4] =	wrdreg $0xC0  }
0xb1: {  	_ =	task [dreg:s7], $0x5FFFF  }
0xb2: {  	[dreg:$0x1] =	wrdreg $0xFFFFFFFF  }
0xb3: {  	[dreg:$0x0] =	wrdreg $0x60  }
0xb4: {  	[dreg:$0x2] =	wrdreg s24  }
0xb5: {  	[dreg:$0x3] =	wrdreg s16  }
0xb6: {  	[dreg:$0x4] =	wrdreg $0x9  }
0xb7: {  	_ =	task.clear_ibuf [dreg:s7], $0x5FFFF;
	_ =	strace $0x9000004C  }
0xb8: {  	s29 =	simm.s32 $0x9;
	_ =	strace $0x8000004E  }
0xb9: {  	_ =	swait.ge [sflag:s29], $0x1  }
0xba: {  	[sflag:s29] =	ssyncadd.s32 $0xFFFFFFFF  }
0xbb: {  	_ =	strace $0x9000004E  }
0xbc: {  	_ =	sfence  }
0xbd: {  	s30 =	sld [smem:$0x0];
	_ =	sdelay $0x2  }
0xbe: {  	s31 =	sshll.u32 s1, $0xD;
	s1 =	sshrl.u32 s1, $0x2  }
0xbf: {  	s3 =	sand.u32 $0x4000, s31;
	s1 =	sadd.s32 s1, s30  }
0xc0: {  	s0 =	sor.u32 s3, s0;
	s1 =	sshll.u32 s1, $0x11  }
0xc1: {  	s0 =	sor.u32 s1, s0  }
0xc2: {  	s0 =	sadd.s32 $0x8F2B, s0  }
0xc3: {  	[sflag:s0] =	ssyncadd.remote.s32 $0x1  }
0xc4: {  	_ =	sfence.sel $0xFFFF  }
0xc5: {  	[dreg:$0x0] =	wrdreg $0xFFFFFFFF;
	(pc) =	sbr.abs _section_cstart, $3  }
0xc6: {  	[dreg:$0x1] =	wrdreg $0xFFFFFFFF  }
0xc7: {  	_ =	task.clear_ibuf [dreg:s7], $0x2FFFF;
	_ =	strace $0x9FFFFFFF  }
0xc8: {  	(tm) =	ssettm $0x7FFFFFFF  }
0xc9: {  	_ =	shalt  }
tec
execute0_lowered:
.L_overlay_start_1:
0x0: {  	(tag) =	ssettag $0x1  }
0x1: {  	s1 =	srdreg.scid  }
0x2: {  	s0 =	stileid.u32;
	s9 =	rddreg [dreg:$0x0]  }
0x3: {  	s3 =	rddreg [dreg:$0x1];
	s6 =	sand.u32 $0x1, s1;
	s30 =	sshll.u32 s0, $0x1  }
0x4: {  	s2 =	simm.s32 $0x0;
	s1 =	rddreg [dreg:$0x2];
	s7 =	sor.u32 s6, s30  }
0x5: {  	s8 =	simm.s32 $0x1;
	[smem:$0x7FF] =	sst s2;
	s4 =	smul.u32 $0x48, s7  }
0x6: {  	s5 =	sadd.s32 $0x7000, s9;
	_ =	strace $0x8000004D;
	s11 =	ssub.s32 $0x2, s6  }
0x7: {  	s6 =	simm.s32 $0x240;
	s4 =	sadd.s32 s3, s4;
	s3 =	simm.s32 $0x2  }
0x8: {  	[tilespmem:s2], [sflag:$0x2] =	stream.linear.gather [hbm4b:s4+s2], $0x240, $0x38;
	[tilespmem:$0x12280] =	vst v63  }
0x9: {  	s10 =	smul.u32 $0x2400, s7;
	s12 =	sshrl.u32 s11, $0x1;
	_ =	swait.ge [sflag:s3], $0x240  }
0xa: {  	s7 =	simm.s32 $0x280;
	s31 =	ssub.s32 s11, s12;
	[sflag:s3] =	ssyncset.done $0x0  }
0xb: {  	s9 =	sadd.s32 s10, s9;
	s10 =	smax.u32 s31, $0x1;
	[sflag:s3] =	ssyncadd.s32 $0xFFFFFDC0  }
0xc: {  	[tilespmem:s7], [sflag:$0x1] =	stream.indirect.gather [hbm4b:s5+s6], $0x80, s2, s6, $0xb8;
	[tilespmem:$0x12280] =	vst v63  }
0xd: {  	p0 =	sne.s32 s10, $0x1;
	_ =	swait.ge [sflag:s8], $0x12000  }
.Ltmp0:
0xe: {  	[sflag:s8] =	ssyncset.done $0x0;
	(pc) =	sbr.rel @!p0 .LBB2_2-.Ltmp0, $4  }
0xf: {  	s9 =	sadd.s32 $0x12B000, s9;
	[sflag:s8] =	ssyncadd.s32 $0xFFFEE000  }
0x10: {  	[hbm4b:s9+s2] =	stream.linear.scatter [tilespmem:s7], [sflag:$0x2], $0x12000, $0x38;
	[tilespmem:$0x12280] =	vst v63  }
0x11: {  	_ =	swait.ge [sflag:s3], $0x12000  }
0x12: {  	s10 =	sadd.s32 $0xFFFFFFFF, s10;
	[sflag:s3] =	ssyncset.done $0x0  }
.LBB2_1:
0x13: {  	p0 =	sne.s32 s10, $0x1;
	s10 =	sadd.s32 $0xFFFFFFFF, s10;
	[sflag:s3] =	ssyncadd.s32 $0xFFFEE000  }
0x14: {  	[tilespmem:s2], [sflag:$0x2] =	stream.linear.gather [hbm4b:s4+s2], $0x240, $0x38;
	[tilespmem:$0x12280] =	vst v63  }
0x15: {  	_ =	swait.ge [sflag:s3], $0x240  }
0x16: {  	[sflag:s3] =	ssyncset.done $0x0  }
0x17: {  	[sflag:s3] =	ssyncadd.s32 $0xFFFFFDC0  }
0x18: {  	[tilespmem:s7], [sflag:$0x1] =	stream.indirect.gather [hbm4b:s5+s6], $0x80, s2, s6, $0xb8;
	[tilespmem:$0x12280] =	vst v63  }
0x19: {  	_ =	swait.ge [sflag:s8], $0x12000  }
.Ltmp1:
0x1a: {  	[sflag:s8] =	ssyncset.done $0x0;
	(pc) =	sbr.rel @p0 .LBB2_1-.Ltmp1, $4  }
0x1b: {  	[sflag:s8] =	ssyncadd.s32 $0xFFFEE000  }
0x1c: {  	[hbm4b:s9+s2] =	stream.linear.scatter [tilespmem:s7], [sflag:$0x2], $0x12000, $0x38;
	[tilespmem:$0x12280] =	vst v63  }
0x1d: {  	_ =	swait.ge [sflag:s3], $0x12000  }
0x1e: {  	[sflag:s3] =	ssyncset.done $0x0  }
.LBB2_2:
0x1f: {  	[sflag:s3] =	ssyncadd.s32 $0xFFFEE000  }
0x20: {  	_ =	sfence.sel $0x180000  }
0x21: {  	[bflag:$0x0] =	sbarrier.arrive $0xFFFF  }
0x22: {  	p0 =	sne.s32 s0, $0x0;
	_ =	strace $0x9000004D  }
0x23: {  	s0 =	sadd.s32 @!p0 $0x100000, s1;
	[bflag:$0x2] =	sbarrier.arrive $0xFFFF  }
0x24: {  	[sflag:s0] =	ssyncadd.tile.s32 @!p0 $0x1;
	_ =	shalt  }
.Lfunc_end2:
_tile_overlayer_lowered:
.L_overlay_start_2:
0x25: {  	(tag) =	ssettag $0x2  }
0x26: {  	s0 =	rddreg [dreg:$0x0];
	s2 =	stileid.u32  }
0x27: {  	s1 =	rddreg [dreg:$0x1];
	p0 =	sne.s32 s2, $0x0  }
0x28: {  	s3 =	rddreg [dreg:$0x2];
	[bflag:$0x3] =	sbarrier.arrive $0xFFFF;
	s2 =	simm.s32 @!p0 $0x1C02  }
0x29: {  	[timem:s3], [sflag:s2] =	dma.local @!p0 [hbm:s0], s1  }
0x2a: {  	s0 =	simm.s32 @!p0 $0x2  }
0x2b: {  	_ =	swait.ge @!p0 [sflag:s0], s1  }
0x2c: {  	s1 =	ssub.s32 @!p0 $0x0, s1;
	[sflag:s0] =	ssyncset.done @!p0 $0x0  }
0x2d: {  	[sflag:s0] =	ssyncadd.s32 @!p0 s1  }
0x2e: {  	[bflag:$0x3] =	sbarrier.arrive $0xFFFF  }
0x2f: {  	_ =	shalt  }

// kernel: kernel.20.cloned.1.call-start
scs
__scs_entry_jumppad:
0x0: {  	(pc) =	sbr.rel $0x88, $3  }
0x1: {  	(tag) =	ssettag $0x0;
	lr =	simm.s32 $0x1  }
0x2: {  	[smem:$0x3F9F] =	sst lr;
	_ =	strace $0xD0000000  }
0x3: {  	_ = 	snop  }
0x4: {  	_ = 	snop  }
0x5: {  	_ = 	snop  }
0x6: {  	_ = 	snop  }
0x7: {  	_ = 	snop  }
__scs_overlays_trampoline_lowered:
0x8: {  	[smem:$0x3FAE] =	sst s0  }
0x9: {  	[smem:$0x3FAF] =	sst s1  }
0xa: {  	[smem:$0x3FB0] =	sst s2  }
0xb: {  	[smem:$0x3FB1] =	sst s3  }
0xc: {  	[smem:$0x3FB2] =	sst s4  }
0xd: {  	[smem:$0x3FB3] =	sst s5  }
0xe: {  	[smem:$0x3FB4] =	sst s6  }
0xf: {  	[smem:$0x3FB5] =	sst s7  }
0x10: {  	[smem:$0x3FB6] =	sst s8  }
0x11: {  	[smem:$0x3FB7] =	sst s9;
	s0 =	simm.s32 @!p0 $0x0  }
0x12: {  	s1 =	sld [smem:$0x3F9D];
	s0 =	simm.s32 @p0 $0x1  }
0x13: {  	[smem:$0x3FB8] =	sst s0;
	s0 =	simm.s32 @!p1 $0x0  }
0x14: {  	s2 =	sld [smem:$0x3F9C];
	s0 =	simm.s32 @p1 $0x1  }
0x15: {  	[smem:$0x3FB9] =	sst s0;
	s0 =	simm.s32 @!p2 $0x0  }
0x16: {  	s3 =	sld [smem:$0x3FDB];
	s0 =	simm.s32 @p2 $0x1  }
0x17: {  	s4 =	simm.s32 $0x1BF5;
	[smem:$0x3FBB] =	sst s0  }
0x18: {  	s0 =	sld [smem:$0x3F9E];
	_ =	swait.ge [sflag:s4], $0x0  }
0x19: {  	s7 =	sld [smem:$0x3F9F]  }
0x1a: {  	s8 =	sadd.s32 $0xFFFFE003, lr  }
0x1b: {  	s9 =	sadd.s32 $0xFFFFFEF7, lr;
	s5 =	simm.s32 $0xFFFFFFFF;
	p2 =	slt.u32 s8, $0xFFFFF086  }
0x1c: {  	p1 =	slt.u32 s9, $0xF7A;
	s5 =	simm.s32 @!p2 $0x0  }
0x1d: {  	s5 =	simm.s32 @p1 $0x1;
	p0 =	seq.s32 s7, s2  }
0x1e: {  	s7 =	smul.u32 @!p0 $0xF7A, s2;
	p2 =	seq.s32 @!p0 s5, $0x0  }
0x1f: {  	s9 =	smul.u32 $0xF7A, s1;
	s8 =	simm.s32 @!p0 $0x1BF5;
	p2 =	por !p2, p0  }
0x20: {  	[sflag:s8] =	ssyncset.s32 @!p0 $0xFFFFF086;
	s6 =	sadd.s32 @!p0 s3, s7;
	s7 =	simm.s32 @!p0 $0x108  }
0x21: {  	s3 =	sadd.s32 s3, s9;
	s6 =	sadd.s32 @!p0 $0x88, s6;
	s7 =	simm.s32 @p2 $0x1082  }
0x22: {  	[simem:s7], [sflag:s8] =	dma.local @!p0 [hbm:s6], $0xF7A  }
0x23: {  	s9 =	sor.u32 $0xD0000000, s2;
	s6 =	simm.s32 $0x108;
	_ =	swait.ge @!p0 [sflag:s8], $0x0  }
0x24: {  	s3 =	sadd.s32 $0x88, s3;
	s6 =	simm.s32 @!p1 $0x1082;
	[sflag:s4] =	ssyncset.s32 $0xFFFFF086  }
0x25: {  	[simem:s6], [sflag:s4] =	dma.local [hbm:s3], $0xF7A  }
0x26: {  	[smem:$0x3F9F] =	sst s1;
	(tag) =	ssettag s2;
	_ =	strace s9  }
0x27: {  	s1 =	sld [smem:$0x3FAF]  }
0x28: {  	s2 =	sld [smem:$0x3FB0]  }
0x29: {  	s4 =	sld [smem:$0x3FB2]  }
0x2a: {  	p0 =	seq.s32 s5, $0x0;
	s5 =	sld [smem:$0x3FB3]  }
0x2b: {  	s6 =	sld [smem:$0x3FB4]  }
0x2c: {  	s7 =	sld [smem:$0x3FB5]  }
0x2d: {  	s3 =	simm.s32 $0x108;
	s8 =	sld [smem:$0x3FB6]  }
0x2e: {  	s3 =	simm.s32 @!p0 $0x1082;
	s9 =	sld [smem:$0x3FB7]  }
0x2f: {  	lr =	sadd.s32 s0, s3;
	s0 =	sld [smem:$0x3FAE]  }
0x30: {  	s3 =	sld [smem:$0x3FB1]  }
0x31: {  	[smem:$0x3FBA] =	sst s10  }
0x32: {  	s10 =	sld [smem:$0x3FB8];
	_ =	sdelay $0x3  }
0x33: {  	p0 =	seq.s32 s10, $0x1;
	s10 =	sld [smem:$0x3FBA];
	_ =	sdelay $0x3  }
0x34: {  	[smem:$0x3FBA] =	sst s10  }
0x35: {  	s10 =	sld [smem:$0x3FB9];
	_ =	sdelay $0x3  }
0x36: {  	p1 =	seq.s32 s10, $0x1;
	s10 =	sld [smem:$0x3FBA];
	_ =	sdelay $0x3  }
0x37: {  	[smem:$0x3FBA] =	sst s10  }
0x38: {  	s10 =	sld [smem:$0x3FBB]  }
0x39: {  	_ = 	snop;
	(pc) =	sbr.ind lr, $3  }
0x3a: {  	_ = 	snop  }
0x3b: {  	_ = 	snop  }
0x3c: {  	p2 =	seq.s32 s10, $0x1;
	s10 =	sld [smem:$0x3FBA]  }
0x3d: {  	_ =	shalt  }
0x3e: {  	_ =	shalt  }
0x3f: {  	_ =	shalt  }
0x40: {  	_ =	shalt  }
0x41: {  	_ =	shalt  }
0x42: {  	_ =	shalt  }
0x43: {  	_ =	shalt  }
0x44: {  	_ =	shalt  }
0x45: {  	_ =	shalt  }
0x46: {  	_ =	shalt  }
0x47: {  	_ =	shalt  }
0x48: {  	_ =	shalt  }
0x49: {  	_ =	shalt  }
0x4a: {  	_ =	shalt  }
0x4b: {  	_ =	shalt  }
0x4c: {  	_ =	shalt  }
0x4d: {  	_ =	shalt  }
0x4e: {  	_ =	shalt  }
0x4f: {  	_ =	shalt  }
0x50: {  	_ =	shalt  }
0x51: {  	_ =	shalt  }
0x52: {  	_ =	shalt  }
0x53: {  	_ =	shalt  }
0x54: {  	_ =	shalt  }
0x55: {  	_ =	shalt  }
0x56: {  	_ =	shalt  }
0x57: {  	_ =	shalt  }
0x58: {  	_ =	shalt  }
0x59: {  	_ =	shalt  }
0x5a: {  	_ =	shalt  }
0x5b: {  	_ =	shalt  }
0x5c: {  	_ =	shalt  }
0x5d: {  	_ =	shalt  }
0x5e: {  	_ =	shalt  }
0x5f: {  	_ =	shalt  }
0x60: {  	_ =	shalt  }
0x61: {  	_ =	shalt  }
0x62: {  	_ =	shalt  }
0x63: {  	_ =	shalt  }
0x64: {  	_ =	shalt  }
0x65: {  	_ =	shalt  }
0x66: {  	_ =	shalt  }
0x67: {  	_ =	shalt  }
0x68: {  	_ =	shalt  }
0x69: {  	_ =	shalt  }
0x6a: {  	_ =	shalt  }
0x6b: {  	_ =	shalt  }
0x6c: {  	_ =	shalt  }
0x6d: {  	_ =	shalt  }
0x6e: {  	_ =	shalt  }
0x6f: {  	_ =	shalt  }
0x70: {  	_ =	shalt  }
0x71: {  	_ =	shalt  }
0x72: {  	_ =	shalt  }
0x73: {  	_ =	shalt  }
0x74: {  	_ =	shalt  }
0x75: {  	_ =	shalt  }
0x76: {  	_ =	shalt  }
0x77: {  	_ =	shalt  }
0x78: {  	_ =	shalt  }
0x79: {  	_ =	shalt  }
0x7a: {  	_ =	shalt  }
0x7b: {  	_ =	shalt  }
0x7c: {  	_ =	shalt  }
0x7d: {  	_ =	shalt  }
0x7e: {  	_ =	shalt  }
0x7f: {  	_ =	shalt  }
0x80: {  	_ =	shalt  }
0x81: {  	_ =	shalt  }
0x82: {  	_ =	shalt  }
0x83: {  	_ =	shalt  }
0x84: {  	_ =	shalt  }
0x85: {  	_ =	shalt  }
0x86: {  	_ =	shalt  }
0x87: {  	_ =	shalt  }
.Lfunc_end0:
.L_simem_size_0:
called_computation.3_lowered:
.L_overlay_start_0:
0x88: {  	s2 =	sld [smem:$0x3FD9]  }
0x89: {  	s3 =	sld [smem:$0x3FFE];
	_ =	sdelay $0x1  }
0x8a: {  	s1 =	srdreg.scid  }
0x8b: {  	s0 =	sand.u32 $0x1, s1  }
0x8c: {  	s14 =	sshll.u32 s0, $0xA;
	s2 =	sadd.s32 s3, s2  }
0x8d: {  	s2 =	sadd.s32 s2, s14  }
0x8e: {  	[smem:$0x3FC6] =	sst s2  }
0x8f: {  	_ = 	snop  }
0x90: {  	s2 =	sld [smem:$0x3FD0];
	_ =	sdelay $0x2  }
0x91: {  	s15 =	simm.s32 $0xA;
	s4 =	simm.s32 $0x10  }
0x92: {  	[smem:s4], [sflag:s15] =	dma.local [hbm:s2], $0x1  }
0x93: {  	_ =	swait.eq [sflag:s15], $0x1  }
0x94: {  	[sflag:s15] =	ssyncset.done $0x0  }
0x95: {  	s16 =	sld [smem:$0x10];
	[sflag:s15] =	ssyncadd.s32 $0xFFFFFFFF  }
0x96: {  	s17 =	sld [smem:$0x11];
	(tm) =	ssettm $0x1  }
0x97: {  	s18 =	sld [smem:$0x3FFB];
	_ =	sdelay $0x3  }
0x98: {  	_ =	strace s18  }
0x99: {  	s4 =	sld [smem:$0x3FFC];
	_ =	sdelay $0x3  }
0x9a: {  	_ =	strace s4  }
0x9b: {  	s4 =	sld [smem:$0x3FFD];
	_ =	sdelay $0x3  }
0x9c: {  	_ =	strace s4  }
0x9d: {  	_ =	strace $0x8FFFFFFF  }
0x9e: {  	s19 =	sld [smem:$0x3FDB];
	_ =	sdelay $0x1  }
0x9f: {  	s5 =	simm.s32 $_scs_section_size  }
0xa0: {  	s6 =	simm.s32 $_size__tile_overlayer_lowered;
	s7 =	simm.s32 $_tile_overlayer_lowered  }
0xa1: {  	s22 =	simm.s32 $0x1BFF;
	s21 =	sshll.u32 s7, $0x1;
	s4 =	sadd.s32 s5, s19  }
0xa2: {  	s8 =	simm.s32 $0x0;
	s20 =	sshll.u32 s6, $0x1;
	s6 =	sadd.s32 s21, s4  }
0xa3: {  	[timem:s8], [sflag:s22] =	dma.local [hbm:s6], s20  }
0xa4: {  	_ =	swait.ge [sflag:s22], s20  }
0xa5: {  	s5 =	ssub.s32 $0x0, s20;
	[sflag:s22] =	ssyncset.done $0x0  }
0xa6: {  	[sflag:s22] =	ssyncadd.s32 s5;
	_ =	sdelay $0x1  }
0xa7: {  	s23 =	simm.s32 $0x1B8B  }
0xa8: {  	_ =	swait.ge [sflag:s23], $0x1  }
0xa9: {  	[sflag:s23] =	ssyncset.done $0x0  }
0xaa: {  	s25 =	simm.s32 $0x1B8E;
	s24 =	sld [smem:$0x3FFE];
	[sflag:s23] =	ssyncadd.s32 $0xFFFFFFFF  }
0xab: {  	s26 =	simm.s32 $execute0_lowered;
	[smem:$0x3FD2] =	sst s25  }
0xac: {  	s6 =	sshll.u32 s26, $0x1;
	_ =	strace $0x8000004F;
	[dreg:$0x1] =	wrdreg $0xFFFFFFFF  }
0xad: {  	s28 =	simm.s32 $_size_execute0_lowered;
	s4 =	sadd.s32 s4, s6;
	[dreg:$0x0] =	wrdreg $0x0  }
0xae: {  	s6 =	sshll.u32 s28, $0x1;
	[dreg:$0x2] =	wrdreg s4  }
0xaf: {  	[dreg:$0x3] =	wrdreg s6  }
0xb0: {  	[dreg:$0x4] =	wrdreg $0xC0  }
0xb1: {  	_ =	task [dreg:s8], $0x5FFFF  }
0xb2: {  	[dreg:$0x1] =	wrdreg $0xFFFFFFFF  }
0xb3: {  	[dreg:$0x0] =	wrdreg $0x60  }
0xb4: {  	[dreg:$0x2] =	wrdreg s16  }
0xb5: {  	[dreg:$0x3] =	wrdreg s17  }
0xb6: {  	[dreg:$0x4] =	wrdreg s24  }
0xb7: {  	[dreg:$0x5] =	wrdreg $0x9  }
0xb8: {  	_ =	task.clear_ibuf [dreg:s8], $0x6FFFF;
	_ =	strace $0x9000004F  }
0xb9: {  	s29 =	simm.s32 $0x9;
	_ =	strace $0x80000051  }
0xba: {  	_ =	swait.ge [sflag:s29], $0x1  }
0xbb: {  	[sflag:s29] =	ssyncadd.s32 $0xFFFFFFFF  }
0xbc: {  	_ =	strace $0x90000051  }
0xbd: {  	_ =	sfence  }
0xbe: {  	s30 =	sld [smem:$0x0];
	_ =	sdelay $0x2  }
0xbf: {  	s31 =	sshll.u32 s1, $0xD;
	s1 =	sshrl.u32 s1, $0x2  }
0xc0: {  	s3 =	sand.u32 $0x4000, s31;
	s1 =	sadd.s32 s1, s30  }
0xc1: {  	s0 =	sor.u32 s3, s0;
	s1 =	sshll.u32 s1, $0x11  }
0xc2: {  	s0 =	sor.u32 s1, s0  }
0xc3: {  	s0 =	sadd.s32 $0x8F2B, s0  }
0xc4: {  	[sflag:s0] =	ssyncadd.remote.s32 $0x1  }
0xc5: {  	_ =	sfence.sel $0xFFFF  }
0xc6: {  	[dreg:$0x0] =	wrdreg $0xFFFFFFFF;
	(pc) =	sbr.abs _section_cstart, $3  }
0xc7: {  	[dreg:$0x1] =	wrdreg $0xFFFFFFFF  }
0xc8: {  	_ =	task.clear_ibuf [dreg:s8], $0x2FFFF;
	_ =	strace $0x9FFFFFFF  }
0xc9: {  	(tm) =	ssettm $0x7FFFFFFF  }
tec
execute0_lowered:
.L_overlay_start_1:
0x0: {  	(tag) =	ssettag $0x1  }
0x1: {  	s1 =	rddreg [dreg:$0x0]  }
0x2: {  	s2 =	srdreg.scid;
	s0 =	stileid.u32  }
0x3: {  	s4 =	rddreg [dreg:$0x1];
	s6 =	sand.u32 $0x1, s2;
	s30 =	sshll.u32 s0, $0x1  }
0x4: {  	s9 =	rddreg [dreg:$0x2];
	s3 =	simm.s32 $0x0;
	s7 =	sor.u32 s6, s30  }
0x5: {  	s8 =	simm.s32 $0x1;
	[smem:$0x7FF] =	sst s3;
	s5 =	smul.u32 $0x48, s7  }
0x6: {  	s2 =	rddreg [dreg:$0x3];
	_ =	strace $0x80000050;
	s11 =	ssub.s32 $0x2, s6  }
0x7: {  	s6 =	simm.s32 $0x240;
	s5 =	sadd.s32 s4, s5;
	s4 =	simm.s32 $0x2  }
0x8: {  	[tilespmem:s3], [sflag:$0x2] =	stream.linear.gather [hbm4b:s5+s3], $0x240, $0x38;
	[tilespmem:$0x12280] =	vst v63  }
0x9: {  	s10 =	smul.u32 $0x2400, s7;
	s12 =	sshrl.u32 s11, $0x1;
	_ =	swait.ge [sflag:s4], $0x240  }
0xa: {  	s7 =	simm.s32 $0x280;
	s31 =	ssub.s32 s11, s12;
	[sflag:s4] =	ssyncset.done $0x0  }
0xb: {  	s9 =	sadd.s32 s10, s9;
	s10 =	smax.u32 s31, $0x1;
	[sflag:s4] =	ssyncadd.s32 $0xFFFFFDC0  }
0xc: {  	[tilespmem:s7], [sflag:$0x1] =	stream.indirect.gather [hbm4b:s1+s6], $0x80, s3, s6, $0xb8;
	[tilespmem:$0x12280] =	vst v63  }
0xd: {  	p0 =	sne.s32 s10, $0x1;
	_ =	swait.ge [sflag:s8], $0x12000  }
.Ltmp0:
0xe: {  	[sflag:s8] =	ssyncset.done $0x0;
	(pc) =	sbr.rel @!p0 .LBB2_2-.Ltmp0, $4  }
0xf: {  	s9 =	sadd.s32 $0x173000, s9;
	[sflag:s8] =	ssyncadd.s32 $0xFFFEE000  }
0x10: {  	[hbm4b:s9+s3] =	stream.linear.scatter [tilespmem:s7], [sflag:$0x2], $0x12000, $0x38;
	[tilespmem:$0x12280] =	vst v63  }
0x11: {  	_ =	swait.ge [sflag:s4], $0x12000  }
0x12: {  	s10 =	sadd.s32 $0xFFFFFFFF, s10;
	[sflag:s4] =	ssyncset.done $0x0  }
.LBB2_1:
0x13: {  	p0 =	sne.s32 s10, $0x1;
	s10 =	sadd.s32 $0xFFFFFFFF, s10;
	[sflag:s4] =	ssyncadd.s32 $0xFFFEE000  }
0x14: {  	[tilespmem:s3], [sflag:$0x2] =	stream.linear.gather [hbm4b:s5+s3], $0x240, $0x38;
	[tilespmem:$0x12280] =	vst v63  }
0x15: {  	_ =	swait.ge [sflag:s4], $0x240  }
0x16: {  	[sflag:s4] =	ssyncset.done $0x0  }
0x17: {  	[sflag:s4] =	ssyncadd.s32 $0xFFFFFDC0  }
0x18: {  	[tilespmem:s7], [sflag:$0x1] =	stream.indirect.gather [hbm4b:s1+s6], $0x80, s3, s6, $0xb8;
	[tilespmem:$0x12280] =	vst v63  }
0x19: {  	_ =	swait.ge [sflag:s8], $0x12000  }
.Ltmp1:
0x1a: {  	[sflag:s8] =	ssyncset.done $0x0;
	(pc) =	sbr.rel @p0 .LBB2_1-.Ltmp1, $4  }
0x1b: {  	[sflag:s8] =	ssyncadd.s32 $0xFFFEE000  }
0x1c: {  	[hbm4b:s9+s3] =	stream.linear.scatter [tilespmem:s7], [sflag:$0x2], $0x12000, $0x38;
	[tilespmem:$0x12280] =	vst v63  }
0x1d: {  	_ =	swait.ge [sflag:s4], $0x12000  }
0x1e: {  	[sflag:s4] =	ssyncset.done $0x0  }
.LBB2_2:
0x1f: {  	[sflag:s4] =	ssyncadd.s32 $0xFFFEE000  }
0x20: {  	_ =	sfence.sel $0x180000  }
0x21: {  	[bflag:$0x0] =	sbarrier.arrive $0xFFFF  }
0x22: {  	p0 =	sne.s32 s0, $0x0;
	_ =	strace $0x90000050  }
0x23: {  	s0 =	sadd.s32 @!p0 $0x100000, s2;
	[bflag:$0x2] =	sbarrier.arrive $0xFFFF  }
0x24: {  	[sflag:s0] =	ssyncadd.tile.s32 @!p0 $0x1;
	_ =	shalt  }
.Lfunc_end2:
_tile_overlayer_lowered:
.L_overlay_start_2:
0x25: {  	(tag) =	ssettag $0x2  }
0x26: {  	s0 =	rddreg [dreg:$0x0];
	s2 =	stileid.u32  }
0x27: {  	s1 =	rddreg [dreg:$0x1];
	p0 =	sne.s32 s2, $0x0  }
0x28: {  	s3 =	rddreg [dreg:$0x2];
	[bflag:$0x3] =	sbarrier.arrive $0xFFFF;
	s2 =	simm.s32 @!p0 $0x1C02  }
0x29: {  	[timem:s3], [sflag:s2] =	dma.local @!p0 [hbm:s0], s1  }
0x2a: {  	s0 =	simm.s32 @!p0 $0x2  }
0x2b: {  	_ =	swait.ge @!p0 [sflag:s0], s1  }
0x2c: {  	s1 =	ssub.s32 @!p0 $0x0, s1;
	[sflag:s0] =	ssyncset.done @!p0 $0x0  }
0x2d: {  	[sflag:s0] =	ssyncadd.s32 @!p0 s1  }
0x2e: {  	[bflag:$0x3] =	sbarrier.arrive $0xFFFF  }
0x2f: {  	_ =	shalt  }

</sc_bundles>
